<compile_context>
chip_gen: v7x
topology: tpu7x:2x2x1
jax: 0.10.2.dev20260603
libtpu: 0.0.44.dev20260713+nightly
codegen_flags: <defaults>
</compile_context>

<pallas_src>
import jax
import jax.numpy as jnp
from jax import lax
from jax.experimental import pallas as pl
from jax.experimental.pallas import tpu as pltpu
from jax.experimental.pallas import tpu_sc as plsc

DIM = 1024
BATCH = 1024
SEQ = 50
TOTAL = BATCH * SEQ
NUM_WORKERS = 32
PER_WORKER = TOTAL // NUM_WORKERS
CHUNK = 40
NCHUNKS = PER_WORKER // CHUNK
NBUF = 2


def _emb_body(idx_hbm, table_hbm, out_hbm, idx_v, buf0, buf1, smem_stage,
              gs0, gs1, os0, os1):
    bufs = (buf0, buf1)
    sid = lax.axis_index("s")
    gsems = (gs0, gs1)
    osems = (os0, os1)
    wid = lax.axis_index("s") * 2 + lax.axis_index("c")
    base = wid * PER_WORKER

    pltpu.sync_copy(idx_hbm.at[wid], idx_v)

    def gather_start(c, b):
        pltpu.make_async_copy(
            table_hbm.at[idx_v.at[c]], bufs[b], gsems[b]
        ).start()

    def gather_wait(b):
        pltpu.make_async_copy(
            table_hbm.at[idx_v.at[0]], bufs[b], gsems[b]
        ).wait()

    def out_start(c, b):
        pltpu.sync_copy(bufs[b], smem_stage.at[sid])
        pltpu.make_async_copy(
            smem_stage.at[sid], out_hbm.at[pl.ds(base + c * CHUNK, CHUNK)],
            osems[b]
        ).start()

    def out_wait(c, b):
        pltpu.make_async_copy(
            smem_stage.at[sid], out_hbm.at[pl.ds(base + c * CHUNK, CHUNK)],
            osems[b]
        ).wait()

    for b in range(NBUF):
        gather_start(b, b)

    def step(i, carry):
        for b in range(NBUF):
            c = NBUF * i + b
            gather_wait(b)
            out_start(c, b)
            out_wait(c, b)
            gather_start(c + NBUF, b)
        return carry

    lax.fori_loop(0, (NCHUNKS - NBUF) // NBUF, step, 0, unroll=False)

    for b in range(NBUF):
        c = NCHUNKS - NBUF + b
        gather_wait(b)
        out_start(c, b)
        out_wait(c, b)


def kernel(x, emb_weight):
    idx = x.T.reshape(NUM_WORKERS, NCHUNKS, CHUNK)
    mesh = plsc.VectorSubcoreMesh(core_axis_name="c", subcore_axis_name="s")
    out = pl.kernel(
        _emb_body,
        out_type=jax.ShapeDtypeStruct((TOTAL, DIM), jnp.float32),
        mesh=mesh,
        scratch_types=[
            pltpu.VMEM((NCHUNKS, CHUNK), jnp.int32),
            pltpu.VMEM((CHUNK, DIM), jnp.float32),
            pltpu.VMEM((CHUNK, DIM), jnp.float32),
            pltpu.VMEM_SHARED((16, CHUNK, DIM), jnp.float32),
            pltpu.SemaphoreType.DMA,
            pltpu.SemaphoreType.DMA,
            pltpu.SemaphoreType.DMA,
            pltpu.SemaphoreType.DMA,
        ],
    )(idx, emb_weight)
    return out.reshape(SEQ, BATCH, DIM).transpose(1, 0, 2)

# --- scband reference (transcript-rebuilt; emitter-appended) ---
"""Pipeline reference for scband-embedding-model-81372450390831 (READ-ONLY COPY).

The authoritative reference and input builder live on the scoring server;
editing this copy changes nothing except your own understanding.
"""

import jax, jax.numpy as jnp
import numpy as np

VOCAB = 6163
EMB_DIM = 1024

def setup_inputs(seed: int = 0) -> dict:
    key = jax.random.key(seed)
    k1, k2 = jax.random.split(key)
    x = jax.random.randint(k1, (1024, 50), 0, VOCAB, dtype=jnp.int64 if jax.config.jax_enable_x64 else jnp.int32).astype(jnp.int32)
    emb_weight = jax.random.normal(k2, (VOCAB, EMB_DIM), dtype=jnp.float32)
    return {"x": x, "emb_weight": emb_weight}

def reference(x, emb_weight):
    # nn.Embedding lookup: table[idx]; forward returns .data (detached values)
    return jnp.take(emb_weight, x, axis=0)

if __name__ == "__main__":
    import jax
    _d = setup_inputs()
    print(jax.jit(kernel)(*tuple(_d.values())))

</pallas_src>

<mosaic_0001>
#map = affine_map<(d0, d1) -> (0, 0, 0)>
#map1 = affine_map<(d0, d1) -> (0, 0)>
module attributes {stable_mosaic.version = 14 : i64} {
  func.func @_emb_body(%arg0: i32, %arg1: i32, %arg2: memref<32x40x40xi32, #tpu.memory_space<hbm>>, %arg3: memref<6163x1024xf32, #tpu.memory_space<hbm>>, %arg4: memref<51200x1024xf32, #tpu.memory_space<hbm>>, %arg5: memref<40x40xi32, #tpu.memory_space<vmem>>, %arg6: memref<40x1024xf32, #tpu.memory_space<vmem>>, %arg7: memref<40x1024xf32, #tpu.memory_space<vmem>>, %arg8: memref<16x40x1024xf32, #tpu.memory_space<vmem_shared>>, %arg9: memref<!tpu.dma_semaphore, #tpu.memory_space<semaphore_mem>>, %arg10: memref<!tpu.dma_semaphore, #tpu.memory_space<semaphore_mem>>, %arg11: memref<!tpu.dma_semaphore, #tpu.memory_space<semaphore_mem>>, %arg12: memref<!tpu.dma_semaphore, #tpu.memory_space<semaphore_mem>>) attributes {dimension_semantics = [#tpu.dimension_semantics<core_parallel>, #tpu.dimension_semantics<subcore_parallel>], iteration_bounds = array<i64: 2, 16>, scalar_prefetch = 0 : i64, scratch_operands = 8 : i64, tpu.core_type = #tpu.core_type<sc_vector_subcore>, window_params = [{transform_indices = #map}, {transform_indices = #map1}, {transform_indices = #map1}]} {
    %mul3A = arith.constant 2 : i32
    %mul3A_0 = arith.muli %arg1, %mul3A : i32
    %add3A = arith.addi %mul3A_0, %arg0 : i32
    %mul3A_1 = arith.constant 1600 : i32
    %mul3A_2 = arith.muli %add3A, %mul3A_1 : i32
    "tpu.region"() ({
      %run_scoped3A = tpu.sem_alloc : memref<!tpu.dma_semaphore, #tpu.memory_space<semaphore_mem>>
      %dma_start3A_66 = arith.constant 0 : i32
      %dma_start3A_67 = arith.constant 0 : i32
      %dma_start3A_68 = tpu.memref_slice %arg2[%add3A, %dma_start3A_66, %dma_start3A_67] : memref<32x40x40xi32, #tpu.memory_space<hbm>> -> memref<1x40x40xi32, #tpu.memory_space<hbm>>
      %dma_start3A_69 = tpu.memref_squeeze %dma_start3A_68 : memref<1x40x40xi32, #tpu.memory_space<hbm>> -> memref<40x40xi32, #tpu.memory_space<hbm>>
      %dma_start3A_70 = arith.constant 0 : i32
      %dma_start3A_71 = arith.constant 0 : i32
      %dma_start3A_72 = tpu.memref_slice %arg2[%add3A, %dma_start3A_70, %dma_start3A_71] : memref<32x40x40xi32, #tpu.memory_space<hbm>> -> memref<1x40x40xi32, #tpu.memory_space<hbm>>
      %dma_start3A_73 = tpu.memref_squeeze %dma_start3A_72 : memref<1x40x40xi32, #tpu.memory_space<hbm>> -> memref<40x40xi32, #tpu.memory_space<hbm>>
      tpu.enqueue_dma source(%dma_start3A_73 : memref<40x40xi32, #tpu.memory_space<hbm>>) target(%arg5 : memref<40x40xi32, #tpu.memory_space<vmem>>) target_semaphore(%run_scoped3A : memref<!tpu.dma_semaphore, #tpu.memory_space<semaphore_mem>>)
      %dma_wait3A_74 = arith.constant 0 : i32
      %dma_wait3A_75 = arith.constant 0 : i32
      %dma_wait3A_76 = tpu.memref_slice %arg2[%add3A, %dma_wait3A_74, %dma_wait3A_75] : memref<32x40x40xi32, #tpu.memory_space<hbm>> -> memref<1x40x40xi32, #tpu.memory_space<hbm>>
      %dma_wait3A_77 = tpu.memref_squeeze %dma_wait3A_76 : memref<1x40x40xi32, #tpu.memory_space<hbm>> -> memref<40x40xi32, #tpu.memory_space<hbm>>
      %dma_wait3A_78 = arith.constant 0 : i32
      %dma_wait3A_79 = arith.constant 0 : i32
      %dma_wait3A_80 = tpu.memref_slice %arg2[%add3A, %dma_wait3A_78, %dma_wait3A_79] : memref<32x40x40xi32, #tpu.memory_space<hbm>> -> memref<1x40x40xi32, #tpu.memory_space<hbm>>
      %dma_wait3A_81 = tpu.memref_squeeze %dma_wait3A_80 : memref<1x40x40xi32, #tpu.memory_space<hbm>> -> memref<40x40xi32, #tpu.memory_space<hbm>>
      tpu.wait_dma2 semaphore(%run_scoped3A : memref<!tpu.dma_semaphore, #tpu.memory_space<semaphore_mem>>) src(%dma_wait3A_81 : memref<40x40xi32, #tpu.memory_space<hbm>>) dst(%arg5 : memref<40x40xi32, #tpu.memory_space<vmem>>)
      tpu.yield
    }) : () -> ()
    %dma_start3A = arith.constant 0 : i32
    %dma_start3A_3 = arith.constant 0 : i32
    %dma_start3A_4 = tpu.memref_slice %arg5[%dma_start3A, %dma_start3A_3] : memref<40x40xi32, #tpu.memory_space<vmem>> -> memref<1x40xi32, #tpu.memory_space<vmem>>
    %dma_start3A_5 = tpu.memref_squeeze %dma_start3A_4 : memref<1x40xi32, #tpu.memory_space<vmem>> -> memref<40xi32, #tpu.memory_space<vmem>>
    %dma_start3A_6 = arith.constant 0 : i32
    %dma_start3A_7 = arith.constant 0 : i32
    %dma_start3A_8 = tpu.memref_slice %arg3[%dma_start3A_6, %dma_start3A_7] : memref<6163x1024xf32, #tpu.memory_space<hbm>> -> memref<6163x1024xf32, #tpu.memory_space<hbm>>
    tpu.enqueue_indirect_dma source(%dma_start3A_8 : memref<6163x1024xf32, #tpu.memory_space<hbm>>) target(%arg6 : memref<40x1024xf32, #tpu.memory_space<vmem>>) offsets(%dma_start3A_5 : memref<40xi32, #tpu.memory_space<vmem>>) semaphore(%arg9 : memref<!tpu.dma_semaphore, #tpu.memory_space<semaphore_mem>>)
    %dma_start3A_9 = arith.constant 1 : i32
    %dma_start3A_10 = arith.constant 0 : i32
    %dma_start3A_11 = tpu.memref_slice %arg5[%dma_start3A_9, %dma_start3A_10] : memref<40x40xi32, #tpu.memory_space<vmem>> -> memref<1x40xi32, #tpu.memory_space<vmem>>
    %dma_start3A_12 = tpu.memref_squeeze %dma_start3A_11 : memref<1x40xi32, #tpu.memory_space<vmem>> -> memref<40xi32, #tpu.memory_space<vmem>>
    %dma_start3A_13 = arith.constant 0 : i32
    %dma_start3A_14 = arith.constant 0 : i32
    %dma_start3A_15 = tpu.memref_slice %arg3[%dma_start3A_13, %dma_start3A_14] : memref<6163x1024xf32, #tpu.memory_space<hbm>> -> memref<6163x1024xf32, #tpu.memory_space<hbm>>
    tpu.enqueue_indirect_dma source(%dma_start3A_15 : memref<6163x1024xf32, #tpu.memory_space<hbm>>) target(%arg7 : memref<40x1024xf32, #tpu.memory_space<vmem>>) offsets(%dma_start3A_12 : memref<40xi32, #tpu.memory_space<vmem>>) semaphore(%arg10 : memref<!tpu.dma_semaphore, #tpu.memory_space<semaphore_mem>>)
    %scan3A = arith.constant 0 : i32
    %scan3A_16 = arith.constant 0 : i32
    %scan3A_17 = arith.constant 19 : i32
    %scan3A_18 = arith.addi %scan3A_16, %scan3A_17 : i32
    %scan3A_19 = arith.constant 1 : i32
    scf.for %scan3A_66 = %scan3A_16 to %scan3A_18 step %scan3A_19  : i32 {
      %mul3A_67 = arith.constant 2 : i32
      %mul3A_68 = arith.muli %mul3A_67, %scan3A_66 : i32
      %add3A_69 = arith.constant 0 : i32
      %add3A_70 = arith.addi %mul3A_68, %add3A_69 : i32
      %dma_wait3A_71 = arith.constant 0 : i32
      %dma_wait3A_72 = arith.constant 0 : i32
      %dma_wait3A_73 = tpu.memref_slice %arg5[%dma_wait3A_71, %dma_wait3A_72] : memref<40x40xi32, #tpu.memory_space<vmem>> -> memref<1x40xi32, #tpu.memory_space<vmem>>
      %dma_wait3A_74 = tpu.memref_squeeze %dma_wait3A_73 : memref<1x40xi32, #tpu.memory_space<vmem>> -> memref<40xi32, #tpu.memory_space<vmem>>
      %dma_wait3A_75 = arith.constant 0 : i32
      %dma_wait3A_76 = arith.constant 0 : i32
      %dma_wait3A_77 = tpu.memref_slice %arg3[%dma_wait3A_75, %dma_wait3A_76] : memref<6163x1024xf32, #tpu.memory_space<hbm>> -> memref<6163x1024xf32, #tpu.memory_space<hbm>>
      tpu.wait_indirect_dma semaphore(%arg9 : memref<!tpu.dma_semaphore, #tpu.memory_space<semaphore_mem>>) src(%dma_wait3A_77 : memref<6163x1024xf32, #tpu.memory_space<hbm>>) dst(%arg6 : memref<40x1024xf32, #tpu.memory_space<vmem>>)
      "tpu.region"() ({
        %run_scoped3A = tpu.sem_alloc : memref<!tpu.dma_semaphore, #tpu.memory_space<semaphore_mem>>
        %dma_start3A_141 = arith.constant 0 : i32
        %dma_start3A_142 = arith.constant 0 : i32
        %dma_start3A_143 = tpu.memref_slice %arg8[%arg1, %dma_start3A_141, %dma_start3A_142] : memref<16x40x1024xf32, #tpu.memory_space<vmem_shared>> -> memref<1x40x1024xf32, #tpu.memory_space<vmem_shared>>
        %dma_start3A_144 = tpu.memref_squeeze %dma_start3A_143 : memref<1x40x1024xf32, #tpu.memory_space<vmem_shared>> -> memref<40x1024xf32, #tpu.memory_space<vmem_shared>>
        %dma_start3A_145 = arith.constant 0 : i32
        %dma_start3A_146 = arith.constant 0 : i32
        %dma_start3A_147 = tpu.memref_slice %arg8[%arg1, %dma_start3A_145, %dma_start3A_146] : memref<16x40x1024xf32, #tpu.memory_space<vmem_shared>> -> memref<1x40x1024xf32, #tpu.memory_space<vmem_shared>>
        %dma_start3A_148 = tpu.memref_squeeze %dma_start3A_147 : memref<1x40x1024xf32, #tpu.memory_space<vmem_shared>> -> memref<40x1024xf32, #tpu.memory_space<vmem_shared>>
        tpu.enqueue_dma source(%arg6 : memref<40x1024xf32, #tpu.memory_space<vmem>>) target(%dma_start3A_148 : memref<40x1024xf32, #tpu.memory_space<vmem_shared>>) target_semaphore(%run_scoped3A : memref<!tpu.dma_semaphore, #tpu.memory_space<semaphore_mem>>)
        %dma_wait3A_149 = arith.constant 0 : i32
        %dma_wait3A_150 = arith.constant 0 : i32
        %dma_wait3A_151 = tpu.memref_slice %arg8[%arg1, %dma_wait3A_149, %dma_wait3A_150] : memref<16x40x1024xf32, #tpu.memory_space<vmem_shared>> -> memref<1x40x1024xf32, #tpu.memory_space<vmem_shared>>
        %dma_wait3A_152 = tpu.memref_squeeze %dma_wait3A_151 : memref<1x40x1024xf32, #tpu.memory_space<vmem_shared>> -> memref<40x1024xf32, #tpu.memory_space<vmem_shared>>
        %dma_wait3A_153 = arith.constant 0 : i32
        %dma_wait3A_154 = arith.constant 0 : i32
        %dma_wait3A_155 = tpu.memref_slice %arg8[%arg1, %dma_wait3A_153, %dma_wait3A_154] : memref<16x40x1024xf32, #tpu.memory_space<vmem_shared>> -> memref<1x40x1024xf32, #tpu.memory_space<vmem_shared>>
        %dma_wait3A_156 = tpu.memref_squeeze %dma_wait3A_155 : memref<1x40x1024xf32, #tpu.memory_space<vmem_shared>> -> memref<40x1024xf32, #tpu.memory_space<vmem_shared>>
        tpu.wait_dma2 semaphore(%run_scoped3A : memref<!tpu.dma_semaphore, #tpu.memory_space<semaphore_mem>>) src(%arg6 : memref<40x1024xf32, #tpu.memory_space<vmem>>) dst(%dma_wait3A_156 : memref<40x1024xf32, #tpu.memory_space<vmem_shared>>)
        tpu.yield
      }) : () -> ()
      %mul3A_78 = arith.constant 40 : i32
      %mul3A_79 = arith.muli %add3A_70, %mul3A_78 : i32
      %add3A_80 = arith.addi %mul3A_2, %mul3A_79 : i32
      %dma_start3A_81 = arith.constant 0 : i32
      %dma_start3A_82 = tpu.memref_slice %arg4[%add3A_80, %dma_start3A_81] : memref<51200x1024xf32, #tpu.memory_space<hbm>> -> memref<40x1024xf32, #tpu.memory_space<hbm>>
      %dma_start3A_83 = arith.constant 0 : i32
      %dma_start3A_84 = arith.constant 0 : i32
      %dma_start3A_85 = tpu.memref_slice %arg8[%arg1, %dma_start3A_83, %dma_start3A_84] : memref<16x40x1024xf32, #tpu.memory_space<vmem_shared>> -> memref<1x40x1024xf32, #tpu.memory_space<vmem_shared>>
      %dma_start3A_86 = tpu.memref_squeeze %dma_start3A_85 : memref<1x40x1024xf32, #tpu.memory_space<vmem_shared>> -> memref<40x1024xf32, #tpu.memory_space<vmem_shared>>
      tpu.enqueue_dma source(%dma_start3A_86 : memref<40x1024xf32, #tpu.memory_space<vmem_shared>>) target(%dma_start3A_82 : memref<40x1024xf32, #tpu.memory_space<hbm>>) target_semaphore(%arg11 : memref<!tpu.dma_semaphore, #tpu.memory_space<semaphore_mem>>)
      %mul3A_87 = arith.constant 40 : i32
      %mul3A_88 = arith.muli %add3A_70, %mul3A_87 : i32
      %add3A_89 = arith.addi %mul3A_2, %mul3A_88 : i32
      %dma_wait3A_90 = arith.constant 0 : i32
      %dma_wait3A_91 = tpu.memref_slice %arg4[%add3A_89, %dma_wait3A_90] : memref<51200x1024xf32, #tpu.memory_space<hbm>> -> memref<40x1024xf32, #tpu.memory_space<hbm>>
      %dma_wait3A_92 = arith.constant 0 : i32
      %dma_wait3A_93 = arith.constant 0 : i32
      %dma_wait3A_94 = tpu.memref_slice %arg8[%arg1, %dma_wait3A_92, %dma_wait3A_93] : memref<16x40x1024xf32, #tpu.memory_space<vmem_shared>> -> memref<1x40x1024xf32, #tpu.memory_space<vmem_shared>>
      %dma_wait3A_95 = tpu.memref_squeeze %dma_wait3A_94 : memref<1x40x1024xf32, #tpu.memory_space<vmem_shared>> -> memref<40x1024xf32, #tpu.memory_space<vmem_shared>>
      tpu.wait_dma2 semaphore(%arg11 : memref<!tpu.dma_semaphore, #tpu.memory_space<semaphore_mem>>) src(%dma_wait3A_95 : memref<40x1024xf32, #tpu.memory_space<vmem_shared>>) dst(%dma_wait3A_91 : memref<40x1024xf32, #tpu.memory_space<hbm>>)
      %add3A_96 = arith.constant 2 : i32
      %add3A_97 = arith.addi %add3A_70, %add3A_96 : i32
      %dma_start3A_98 = arith.constant 0 : i32
      %dma_start3A_99 = tpu.memref_slice %arg5[%add3A_97, %dma_start3A_98] : memref<40x40xi32, #tpu.memory_space<vmem>> -> memref<1x40xi32, #tpu.memory_space<vmem>>
      %dma_start3A_100 = tpu.memref_squeeze %dma_start3A_99 : memref<1x40xi32, #tpu.memory_space<vmem>> -> memref<40xi32, #tpu.memory_space<vmem>>
      %dma_start3A_101 = arith.constant 0 : i32
      %dma_start3A_102 = arith.constant 0 : i32
      %dma_start3A_103 = tpu.memref_slice %arg3[%dma_start3A_101, %dma_start3A_102] : memref<6163x1024xf32, #tpu.memory_space<hbm>> -> memref<6163x1024xf32, #tpu.memory_space<hbm>>
      tpu.enqueue_indirect_dma source(%dma_start3A_103 : memref<6163x1024xf32, #tpu.memory_space<hbm>>) target(%arg6 : memref<40x1024xf32, #tpu.memory_space<vmem>>) offsets(%dma_start3A_100 : memref<40xi32, #tpu.memory_space<vmem>>) semaphore(%arg9 : memref<!tpu.dma_semaphore, #tpu.memory_space<semaphore_mem>>)
      %mul3A_104 = arith.constant 2 : i32
      %mul3A_105 = arith.muli %mul3A_104, %scan3A_66 : i32
      %add3A_106 = arith.constant 1 : i32
      %add3A_107 = arith.addi %mul3A_105, %add3A_106 : i32
      %dma_wait3A_108 = arith.constant 0 : i32
      %dma_wait3A_109 = arith.constant 0 : i32
      %dma_wait3A_110 = tpu.memref_slice %arg5[%dma_wait3A_108, %dma_wait3A_109] : memref<40x40xi32, #tpu.memory_space<vmem>> -> memref<1x40xi32, #tpu.memory_space<vmem>>
      %dma_wait3A_111 = tpu.memref_squeeze %dma_wait3A_110 : memref<1x40xi32, #tpu.memory_space<vmem>> -> memref<40xi32, #tpu.memory_space<vmem>>
      %dma_wait3A_112 = arith.constant 0 : i32
      %dma_wait3A_113 = arith.constant 0 : i32
      %dma_wait3A_114 = tpu.memref_slice %arg3[%dma_wait3A_112, %dma_wait3A_113] : memref<6163x1024xf32, #tpu.memory_space<hbm>> -> memref<6163x1024xf32, #tpu.memory_space<hbm>>
      tpu.wait_indirect_dma semaphore(%arg10 : memref<!tpu.dma_semaphore, #tpu.memory_space<semaphore_mem>>) src(%dma_wait3A_114 : memref<6163x1024xf32, #tpu.memory_space<hbm>>) dst(%arg7 : memref<40x1024xf32, #tpu.memory_space<vmem>>)
      "tpu.region"() ({
        %run_scoped3A = tpu.sem_alloc : memref<!tpu.dma_semaphore, #tpu.memory_space<semaphore_mem>>
        %dma_start3A_141 = arith.constant 0 : i32
        %dma_start3A_142 = arith.constant 0 : i32
        %dma_start3A_143 = tpu.memref_slice %arg8[%arg1, %dma_start3A_141, %dma_start3A_142] : memref<16x40x1024xf32, #tpu.memory_space<vmem_shared>> -> memref<1x40x1024xf32, #tpu.memory_space<vmem_shared>>
        %dma_start3A_144 = tpu.memref_squeeze %dma_start3A_143 : memref<1x40x1024xf32, #tpu.memory_space<vmem_shared>> -> memref<40x1024xf32, #tpu.memory_space<vmem_shared>>
        %dma_start3A_145 = arith.constant 0 : i32
        %dma_start3A_146 = arith.constant 0 : i32
        %dma_start3A_147 = tpu.memref_slice %arg8[%arg1, %dma_start3A_145, %dma_start3A_146] : memref<16x40x1024xf32, #tpu.memory_space<vmem_shared>> -> memref<1x40x1024xf32, #tpu.memory_space<vmem_shared>>
        %dma_start3A_148 = tpu.memref_squeeze %dma_start3A_147 : memref<1x40x1024xf32, #tpu.memory_space<vmem_shared>> -> memref<40x1024xf32, #tpu.memory_space<vmem_shared>>
        tpu.enqueue_dma source(%arg7 : memref<40x1024xf32, #tpu.memory_space<vmem>>) target(%dma_start3A_148 : memref<40x1024xf32, #tpu.memory_space<vmem_shared>>) target_semaphore(%run_scoped3A : memref<!tpu.dma_semaphore, #tpu.memory_space<semaphore_mem>>)
        %dma_wait3A_149 = arith.constant 0 : i32
        %dma_wait3A_150 = arith.constant 0 : i32
        %dma_wait3A_151 = tpu.memref_slice %arg8[%arg1, %dma_wait3A_149, %dma_wait3A_150] : memref<16x40x1024xf32, #tpu.memory_space<vmem_shared>> -> memref<1x40x1024xf32, #tpu.memory_space<vmem_shared>>
        %dma_wait3A_152 = tpu.memref_squeeze %dma_wait3A_151 : memref<1x40x1024xf32, #tpu.memory_space<vmem_shared>> -> memref<40x1024xf32, #tpu.memory_space<vmem_shared>>
        %dma_wait3A_153 = arith.constant 0 : i32
        %dma_wait3A_154 = arith.constant 0 : i32
        %dma_wait3A_155 = tpu.memref_slice %arg8[%arg1, %dma_wait3A_153, %dma_wait3A_154] : memref<16x40x1024xf32, #tpu.memory_space<vmem_shared>> -> memref<1x40x1024xf32, #tpu.memory_space<vmem_shared>>
        %dma_wait3A_156 = tpu.memref_squeeze %dma_wait3A_155 : memref<1x40x1024xf32, #tpu.memory_space<vmem_shared>> -> memref<40x1024xf32, #tpu.memory_space<vmem_shared>>
        tpu.wait_dma2 semaphore(%run_scoped3A : memref<!tpu.dma_semaphore, #tpu.memory_space<semaphore_mem>>) src(%arg7 : memref<40x1024xf32, #tpu.memory_space<vmem>>) dst(%dma_wait3A_156 : memref<40x1024xf32, #tpu.memory_space<vmem_shared>>)
        tpu.yield
      }) : () -> ()
      %mul3A_115 = arith.constant 40 : i32
      %mul3A_116 = arith.muli %add3A_107, %mul3A_115 : i32
      %add3A_117 = arith.addi %mul3A_2, %mul3A_116 : i32
      %dma_start3A_118 = arith.constant 0 : i32
      %dma_start3A_119 = tpu.memref_slice %arg4[%add3A_117, %dma_start3A_118] : memref<51200x1024xf32, #tpu.memory_space<hbm>> -> memref<40x1024xf32, #tpu.memory_space<hbm>>
      %dma_start3A_120 = arith.constant 0 : i32
      %dma_start3A_121 = arith.constant 0 : i32
      %dma_start3A_122 = tpu.memref_slice %arg8[%arg1, %dma_start3A_120, %dma_start3A_121] : memref<16x40x1024xf32, #tpu.memory_space<vmem_shared>> -> memref<1x40x1024xf32, #tpu.memory_space<vmem_shared>>
      %dma_start3A_123 = tpu.memref_squeeze %dma_start3A_122 : memref<1x40x1024xf32, #tpu.memory_space<vmem_shared>> -> memref<40x1024xf32, #tpu.memory_space<vmem_shared>>
      tpu.enqueue_dma source(%dma_start3A_123 : memref<40x1024xf32, #tpu.memory_space<vmem_shared>>) target(%dma_start3A_119 : memref<40x1024xf32, #tpu.memory_space<hbm>>) target_semaphore(%arg12 : memref<!tpu.dma_semaphore, #tpu.memory_space<semaphore_mem>>)
      %mul3A_124 = arith.constant 40 : i32
      %mul3A_125 = arith.muli %add3A_107, %mul3A_124 : i32
      %add3A_126 = arith.addi %mul3A_2, %mul3A_125 : i32
      %dma_wait3A_127 = arith.constant 0 : i32
      %dma_wait3A_128 = tpu.memref_slice %arg4[%add3A_126, %dma_wait3A_127] : memref<51200x1024xf32, #tpu.memory_space<hbm>> -> memref<40x1024xf32, #tpu.memory_space<hbm>>
      %dma_wait3A_129 = arith.constant 0 : i32
      %dma_wait3A_130 = arith.constant 0 : i32
      %dma_wait3A_131 = tpu.memref_slice %arg8[%arg1, %dma_wait3A_129, %dma_wait3A_130] : memref<16x40x1024xf32, #tpu.memory_space<vmem_shared>> -> memref<1x40x1024xf32, #tpu.memory_space<vmem_shared>>
      %dma_wait3A_132 = tpu.memref_squeeze %dma_wait3A_131 : memref<1x40x1024xf32, #tpu.memory_space<vmem_shared>> -> memref<40x1024xf32, #tpu.memory_space<vmem_shared>>
      tpu.wait_dma2 semaphore(%arg12 : memref<!tpu.dma_semaphore, #tpu.memory_space<semaphore_mem>>) src(%dma_wait3A_132 : memref<40x1024xf32, #tpu.memory_space<vmem_shared>>) dst(%dma_wait3A_128 : memref<40x1024xf32, #tpu.memory_space<hbm>>)
      %add3A_133 = arith.constant 2 : i32
      %add3A_134 = arith.addi %add3A_107, %add3A_133 : i32
      %dma_start3A_135 = arith.constant 0 : i32
      %dma_start3A_136 = tpu.memref_slice %arg5[%add3A_134, %dma_start3A_135] : memref<40x40xi32, #tpu.memory_space<vmem>> -> memref<1x40xi32, #tpu.memory_space<vmem>>
      %dma_start3A_137 = tpu.memref_squeeze %dma_start3A_136 : memref<1x40xi32, #tpu.memory_space<vmem>> -> memref<40xi32, #tpu.memory_space<vmem>>
      %dma_start3A_138 = arith.constant 0 : i32
      %dma_start3A_139 = arith.constant 0 : i32
      %dma_start3A_140 = tpu.memref_slice %arg3[%dma_start3A_138, %dma_start3A_139] : memref<6163x1024xf32, #tpu.memory_space<hbm>> -> memref<6163x1024xf32, #tpu.memory_space<hbm>>
      tpu.enqueue_indirect_dma source(%dma_start3A_140 : memref<6163x1024xf32, #tpu.memory_space<hbm>>) target(%arg7 : memref<40x1024xf32, #tpu.memory_space<vmem>>) offsets(%dma_start3A_137 : memref<40xi32, #tpu.memory_space<vmem>>) semaphore(%arg10 : memref<!tpu.dma_semaphore, #tpu.memory_space<semaphore_mem>>)
    }
    %scan3A_20 = arith.constant 19 : i32
    %dma_wait3A = arith.constant 0 : i32
    %dma_wait3A_21 = arith.constant 0 : i32
    %dma_wait3A_22 = tpu.memref_slice %arg5[%dma_wait3A, %dma_wait3A_21] : memref<40x40xi32, #tpu.memory_space<vmem>> -> memref<1x40xi32, #tpu.memory_space<vmem>>
    %dma_wait3A_23 = tpu.memref_squeeze %dma_wait3A_22 : memref<1x40xi32, #tpu.memory_space<vmem>> -> memref<40xi32, #tpu.memory_space<vmem>>
    %dma_wait3A_24 = arith.constant 0 : i32
    %dma_wait3A_25 = arith.constant 0 : i32
    %dma_wait3A_26 = tpu.memref_slice %arg3[%dma_wait3A_24, %dma_wait3A_25] : memref<6163x1024xf32, #tpu.memory_space<hbm>> -> memref<6163x1024xf32, #tpu.memory_space<hbm>>
    tpu.wait_indirect_dma semaphore(%arg9 : memref<!tpu.dma_semaphore, #tpu.memory_space<semaphore_mem>>) src(%dma_wait3A_26 : memref<6163x1024xf32, #tpu.memory_space<hbm>>) dst(%arg6 : memref<40x1024xf32, #tpu.memory_space<vmem>>)
    "tpu.region"() ({
      %run_scoped3A = tpu.sem_alloc : memref<!tpu.dma_semaphore, #tpu.memory_space<semaphore_mem>>
      %dma_start3A_66 = arith.constant 0 : i32
      %dma_start3A_67 = arith.constant 0 : i32
      %dma_start3A_68 = tpu.memref_slice %arg8[%arg1, %dma_start3A_66, %dma_start3A_67] : memref<16x40x1024xf32, #tpu.memory_space<vmem_shared>> -> memref<1x40x1024xf32, #tpu.memory_space<vmem_shared>>
      %dma_start3A_69 = tpu.memref_squeeze %dma_start3A_68 : memref<1x40x1024xf32, #tpu.memory_space<vmem_shared>> -> memref<40x1024xf32, #tpu.memory_space<vmem_shared>>
      %dma_start3A_70 = arith.constant 0 : i32
      %dma_start3A_71 = arith.constant 0 : i32
      %dma_start3A_72 = tpu.memref_slice %arg8[%arg1, %dma_start3A_70, %dma_start3A_71] : memref<16x40x1024xf32, #tpu.memory_space<vmem_shared>> -> memref<1x40x1024xf32, #tpu.memory_space<vmem_shared>>
      %dma_start3A_73 = tpu.memref_squeeze %dma_start3A_72 : memref<1x40x1024xf32, #tpu.memory_space<vmem_shared>> -> memref<40x1024xf32, #tpu.memory_space<vmem_shared>>
      tpu.enqueue_dma source(%arg6 : memref<40x1024xf32, #tpu.memory_space<vmem>>) target(%dma_start3A_73 : memref<40x1024xf32, #tpu.memory_space<vmem_shared>>) target_semaphore(%run_scoped3A : memref<!tpu.dma_semaphore, #tpu.memory_space<semaphore_mem>>)
      %dma_wait3A_74 = arith.constant 0 : i32
      %dma_wait3A_75 = arith.constant 0 : i32
      %dma_wait3A_76 = tpu.memref_slice %arg8[%arg1, %dma_wait3A_74, %dma_wait3A_75] : memref<16x40x1024xf32, #tpu.memory_space<vmem_shared>> -> memref<1x40x1024xf32, #tpu.memory_space<vmem_shared>>
      %dma_wait3A_77 = tpu.memref_squeeze %dma_wait3A_76 : memref<1x40x1024xf32, #tpu.memory_space<vmem_shared>> -> memref<40x1024xf32, #tpu.memory_space<vmem_shared>>
      %dma_wait3A_78 = arith.constant 0 : i32
      %dma_wait3A_79 = arith.constant 0 : i32
      %dma_wait3A_80 = tpu.memref_slice %arg8[%arg1, %dma_wait3A_78, %dma_wait3A_79] : memref<16x40x1024xf32, #tpu.memory_space<vmem_shared>> -> memref<1x40x1024xf32, #tpu.memory_space<vmem_shared>>
      %dma_wait3A_81 = tpu.memref_squeeze %dma_wait3A_80 : memref<1x40x1024xf32, #tpu.memory_space<vmem_shared>> -> memref<40x1024xf32, #tpu.memory_space<vmem_shared>>
      tpu.wait_dma2 semaphore(%run_scoped3A : memref<!tpu.dma_semaphore, #tpu.memory_space<semaphore_mem>>) src(%arg6 : memref<40x1024xf32, #tpu.memory_space<vmem>>) dst(%dma_wait3A_81 : memref<40x1024xf32, #tpu.memory_space<vmem_shared>>)
      tpu.yield
    }) : () -> ()
    %add3A_27 = arith.constant 1520 : i32
    %add3A_28 = arith.addi %mul3A_2, %add3A_27 : i32
    %dma_start3A_29 = arith.constant 0 : i32
    %dma_start3A_30 = tpu.memref_slice %arg4[%add3A_28, %dma_start3A_29] : memref<51200x1024xf32, #tpu.memory_space<hbm>> -> memref<40x1024xf32, #tpu.memory_space<hbm>>
    %dma_start3A_31 = arith.constant 0 : i32
    %dma_start3A_32 = arith.constant 0 : i32
    %dma_start3A_33 = tpu.memref_slice %arg8[%arg1, %dma_start3A_31, %dma_start3A_32] : memref<16x40x1024xf32, #tpu.memory_space<vmem_shared>> -> memref<1x40x1024xf32, #tpu.memory_space<vmem_shared>>
    %dma_start3A_34 = tpu.memref_squeeze %dma_start3A_33 : memref<1x40x1024xf32, #tpu.memory_space<vmem_shared>> -> memref<40x1024xf32, #tpu.memory_space<vmem_shared>>
    tpu.enqueue_dma source(%dma_start3A_34 : memref<40x1024xf32, #tpu.memory_space<vmem_shared>>) target(%dma_start3A_30 : memref<40x1024xf32, #tpu.memory_space<hbm>>) target_semaphore(%arg11 : memref<!tpu.dma_semaphore, #tpu.memory_space<semaphore_mem>>)
    %add3A_35 = arith.constant 1520 : i32
    %add3A_36 = arith.addi %mul3A_2, %add3A_35 : i32
    %dma_wait3A_37 = arith.constant 0 : i32
    %dma_wait3A_38 = tpu.memref_slice %arg4[%add3A_36, %dma_wait3A_37] : memref<51200x1024xf32, #tpu.memory_space<hbm>> -> memref<40x1024xf32, #tpu.memory_space<hbm>>
    %dma_wait3A_39 = arith.constant 0 : i32
    %dma_wait3A_40 = arith.constant 0 : i32
    %dma_wait3A_41 = tpu.memref_slice %arg8[%arg1, %dma_wait3A_39, %dma_wait3A_40] : memref<16x40x1024xf32, #tpu.memory_space<vmem_shared>> -> memref<1x40x1024xf32, #tpu.memory_space<vmem_shared>>
    %dma_wait3A_42 = tpu.memref_squeeze %dma_wait3A_41 : memref<1x40x1024xf32, #tpu.memory_space<vmem_shared>> -> memref<40x1024xf32, #tpu.memory_space<vmem_shared>>
    tpu.wait_dma2 semaphore(%arg11 : memref<!tpu.dma_semaphore, #tpu.memory_space<semaphore_mem>>) src(%dma_wait3A_42 : memref<40x1024xf32, #tpu.memory_space<vmem_shared>>) dst(%dma_wait3A_38 : memref<40x1024xf32, #tpu.memory_space<hbm>>)
    %dma_wait3A_43 = arith.constant 0 : i32
    %dma_wait3A_44 = arith.constant 0 : i32
    %dma_wait3A_45 = tpu.memref_slice %arg5[%dma_wait3A_43, %dma_wait3A_44] : memref<40x40xi32, #tpu.memory_space<vmem>> -> memref<1x40xi32, #tpu.memory_space<vmem>>
    %dma_wait3A_46 = tpu.memref_squeeze %dma_wait3A_45 : memref<1x40xi32, #tpu.memory_space<vmem>> -> memref<40xi32, #tpu.memory_space<vmem>>
    %dma_wait3A_47 = arith.constant 0 : i32
    %dma_wait3A_48 = arith.constant 0 : i32
    %dma_wait3A_49 = tpu.memref_slice %arg3[%dma_wait3A_47, %dma_wait3A_48] : memref<6163x1024xf32, #tpu.memory_space<hbm>> -> memref<6163x1024xf32, #tpu.memory_space<hbm>>
    tpu.wait_indirect_dma semaphore(%arg10 : memref<!tpu.dma_semaphore, #tpu.memory_space<semaphore_mem>>) src(%dma_wait3A_49 : memref<6163x1024xf32, #tpu.memory_space<hbm>>) dst(%arg7 : memref<40x1024xf32, #tpu.memory_space<vmem>>)
    "tpu.region"() ({
      %run_scoped3A = tpu.sem_alloc : memref<!tpu.dma_semaphore, #tpu.memory_space<semaphore_mem>>
      %dma_start3A_66 = arith.constant 0 : i32
      %dma_start3A_67 = arith.constant 0 : i32
      %dma_start3A_68 = tpu.memref_slice %arg8[%arg1, %dma_start3A_66, %dma_start3A_67] : memref<16x40x1024xf32, #tpu.memory_space<vmem_shared>> -> memref<1x40x1024xf32, #tpu.memory_space<vmem_shared>>
      %dma_start3A_69 = tpu.memref_squeeze %dma_start3A_68 : memref<1x40x1024xf32, #tpu.memory_space<vmem_shared>> -> memref<40x1024xf32, #tpu.memory_space<vmem_shared>>
      %dma_start3A_70 = arith.constant 0 : i32
      %dma_start3A_71 = arith.constant 0 : i32
      %dma_start3A_72 = tpu.memref_slice %arg8[%arg1, %dma_start3A_70, %dma_start3A_71] : memref<16x40x1024xf32, #tpu.memory_space<vmem_shared>> -> memref<1x40x1024xf32, #tpu.memory_space<vmem_shared>>
      %dma_start3A_73 = tpu.memref_squeeze %dma_start3A_72 : memref<1x40x1024xf32, #tpu.memory_space<vmem_shared>> -> memref<40x1024xf32, #tpu.memory_space<vmem_shared>>
      tpu.enqueue_dma source(%arg7 : memref<40x1024xf32, #tpu.memory_space<vmem>>) target(%dma_start3A_73 : memref<40x1024xf32, #tpu.memory_space<vmem_shared>>) target_semaphore(%run_scoped3A : memref<!tpu.dma_semaphore, #tpu.memory_space<semaphore_mem>>)
      %dma_wait3A_74 = arith.constant 0 : i32
      %dma_wait3A_75 = arith.constant 0 : i32
      %dma_wait3A_76 = tpu.memref_slice %arg8[%arg1, %dma_wait3A_74, %dma_wait3A_75] : memref<16x40x1024xf32, #tpu.memory_space<vmem_shared>> -> memref<1x40x1024xf32, #tpu.memory_space<vmem_shared>>
      %dma_wait3A_77 = tpu.memref_squeeze %dma_wait3A_76 : memref<1x40x1024xf32, #tpu.memory_space<vmem_shared>> -> memref<40x1024xf32, #tpu.memory_space<vmem_shared>>
      %dma_wait3A_78 = arith.constant 0 : i32
      %dma_wait3A_79 = arith.constant 0 : i32
      %dma_wait3A_80 = tpu.memref_slice %arg8[%arg1, %dma_wait3A_78, %dma_wait3A_79] : memref<16x40x1024xf32, #tpu.memory_space<vmem_shared>> -> memref<1x40x1024xf32, #tpu.memory_space<vmem_shared>>
      %dma_wait3A_81 = tpu.memref_squeeze %dma_wait3A_80 : memref<1x40x1024xf32, #tpu.memory_space<vmem_shared>> -> memref<40x1024xf32, #tpu.memory_space<vmem_shared>>
      tpu.wait_dma2 semaphore(%run_scoped3A : memref<!tpu.dma_semaphore, #tpu.memory_space<semaphore_mem>>) src(%arg7 : memref<40x1024xf32, #tpu.memory_space<vmem>>) dst(%dma_wait3A_81 : memref<40x1024xf32, #tpu.memory_space<vmem_shared>>)
      tpu.yield
    }) : () -> ()
    %add3A_50 = arith.constant 1560 : i32
    %add3A_51 = arith.addi %mul3A_2, %add3A_50 : i32
    %dma_start3A_52 = arith.constant 0 : i32
    %dma_start3A_53 = tpu.memref_slice %arg4[%add3A_51, %dma_start3A_52] : memref<51200x1024xf32, #tpu.memory_space<hbm>> -> memref<40x1024xf32, #tpu.memory_space<hbm>>
    %dma_start3A_54 = arith.constant 0 : i32
    %dma_start3A_55 = arith.constant 0 : i32
    %dma_start3A_56 = tpu.memref_slice %arg8[%arg1, %dma_start3A_54, %dma_start3A_55] : memref<16x40x1024xf32, #tpu.memory_space<vmem_shared>> -> memref<1x40x1024xf32, #tpu.memory_space<vmem_shared>>
    %dma_start3A_57 = tpu.memref_squeeze %dma_start3A_56 : memref<1x40x1024xf32, #tpu.memory_space<vmem_shared>> -> memref<40x1024xf32, #tpu.memory_space<vmem_shared>>
    tpu.enqueue_dma source(%dma_start3A_57 : memref<40x1024xf32, #tpu.memory_space<vmem_shared>>) target(%dma_start3A_53 : memref<40x1024xf32, #tpu.memory_space<hbm>>) target_semaphore(%arg12 : memref<!tpu.dma_semaphore, #tpu.memory_space<semaphore_mem>>)
    %add3A_58 = arith.constant 1560 : i32
    %add3A_59 = arith.addi %mul3A_2, %add3A_58 : i32
    %dma_wait3A_60 = arith.constant 0 : i32
    %dma_wait3A_61 = tpu.memref_slice %arg4[%add3A_59, %dma_wait3A_60] : memref<51200x1024xf32, #tpu.memory_space<hbm>> -> memref<40x1024xf32, #tpu.memory_space<hbm>>
    %dma_wait3A_62 = arith.constant 0 : i32
    %dma_wait3A_63 = arith.constant 0 : i32
    %dma_wait3A_64 = tpu.memref_slice %arg8[%arg1, %dma_wait3A_62, %dma_wait3A_63] : memref<16x40x1024xf32, #tpu.memory_space<vmem_shared>> -> memref<1x40x1024xf32, #tpu.memory_space<vmem_shared>>
    %dma_wait3A_65 = tpu.memref_squeeze %dma_wait3A_64 : memref<1x40x1024xf32, #tpu.memory_space<vmem_shared>> -> memref<40x1024xf32, #tpu.memory_space<vmem_shared>>
    tpu.wait_dma2 semaphore(%arg12 : memref<!tpu.dma_semaphore, #tpu.memory_space<semaphore_mem>>) src(%dma_wait3A_65 : memref<40x1024xf32, #tpu.memory_space<vmem_shared>>) dst(%dma_wait3A_61 : memref<40x1024xf32, #tpu.memory_space<hbm>>)
    return
  }
}

</mosaic_0001>

<sc_bundles>
// kernel: kernel.3.cloned.1.call-start
scs
__scs_entry_jumppad:
0x0: {  	(pc) =	sbr.rel $0x88, $3  }
0x1: {  	(tag) =	ssettag $0x0;
	lr =	simm.s32 $0x1  }
0x2: {  	[smem:$0x3F9F] =	sst lr;
	_ =	strace $0xD0000000  }
0x3: {  	_ = 	snop  }
0x4: {  	_ = 	snop  }
0x5: {  	_ = 	snop  }
0x6: {  	_ = 	snop  }
0x7: {  	_ = 	snop  }
__scs_overlays_trampoline_lowered:
0x8: {  	[smem:$0x3FAE] =	sst s0  }
0x9: {  	[smem:$0x3FAF] =	sst s1  }
0xa: {  	[smem:$0x3FB0] =	sst s2  }
0xb: {  	[smem:$0x3FB1] =	sst s3  }
0xc: {  	[smem:$0x3FB2] =	sst s4  }
0xd: {  	[smem:$0x3FB3] =	sst s5  }
0xe: {  	[smem:$0x3FB4] =	sst s6  }
0xf: {  	[smem:$0x3FB5] =	sst s7  }
0x10: {  	[smem:$0x3FB6] =	sst s8  }
0x11: {  	[smem:$0x3FB7] =	sst s9;
	s0 =	simm.s32 @!p0 $0x0  }
0x12: {  	s1 =	sld [smem:$0x3F9D];
	s0 =	simm.s32 @p0 $0x1  }
0x13: {  	[smem:$0x3FB8] =	sst s0;
	s0 =	simm.s32 @!p1 $0x0  }
0x14: {  	s2 =	sld [smem:$0x3F9C];
	s0 =	simm.s32 @p1 $0x1  }
0x15: {  	[smem:$0x3FB9] =	sst s0;
	s0 =	simm.s32 @!p2 $0x0  }
0x16: {  	s3 =	sld [smem:$0x3FDB];
	s0 =	simm.s32 @p2 $0x1  }
0x17: {  	s4 =	simm.s32 $0x1BF5;
	[smem:$0x3FBB] =	sst s0  }
0x18: {  	s0 =	sld [smem:$0x3F9E];
	_ =	swait.ge [sflag:s4], $0x0  }
0x19: {  	s7 =	sld [smem:$0x3F9F]  }
0x1a: {  	s8 =	sadd.s32 $0xFFFFE003, lr  }
0x1b: {  	s9 =	sadd.s32 $0xFFFFFEF7, lr;
	s5 =	simm.s32 $0xFFFFFFFF;
	p2 =	slt.u32 s8, $0xFFFFF086  }
0x1c: {  	p1 =	slt.u32 s9, $0xF7A;
	s5 =	simm.s32 @!p2 $0x0  }
0x1d: {  	s5 =	simm.s32 @p1 $0x1;
	p0 =	seq.s32 s7, s2  }
0x1e: {  	s7 =	smul.u32 @!p0 $0xF7A, s2;
	p2 =	seq.s32 @!p0 s5, $0x0  }
0x1f: {  	s9 =	smul.u32 $0xF7A, s1;
	s8 =	simm.s32 @!p0 $0x1BF5;
	p2 =	por !p2, p0  }
0x20: {  	[sflag:s8] =	ssyncset.s32 @!p0 $0xFFFFF086;
	s6 =	sadd.s32 @!p0 s3, s7;
	s7 =	simm.s32 @!p0 $0x108  }
0x21: {  	s3 =	sadd.s32 s3, s9;
	s6 =	sadd.s32 @!p0 $0x88, s6;
	s7 =	simm.s32 @p2 $0x1082  }
0x22: {  	[simem:s7], [sflag:s8] =	dma.local @!p0 [hbm:s6], $0xF7A  }
0x23: {  	s9 =	sor.u32 $0xD0000000, s2;
	s6 =	simm.s32 $0x108;
	_ =	swait.ge @!p0 [sflag:s8], $0x0  }
0x24: {  	s3 =	sadd.s32 $0x88, s3;
	s6 =	simm.s32 @!p1 $0x1082;
	[sflag:s4] =	ssyncset.s32 $0xFFFFF086  }
0x25: {  	[simem:s6], [sflag:s4] =	dma.local [hbm:s3], $0xF7A  }
0x26: {  	[smem:$0x3F9F] =	sst s1;
	(tag) =	ssettag s2;
	_ =	strace s9  }
0x27: {  	s1 =	sld [smem:$0x3FAF]  }
0x28: {  	s2 =	sld [smem:$0x3FB0]  }
0x29: {  	s4 =	sld [smem:$0x3FB2]  }
0x2a: {  	p0 =	seq.s32 s5, $0x0;
	s5 =	sld [smem:$0x3FB3]  }
0x2b: {  	s6 =	sld [smem:$0x3FB4]  }
0x2c: {  	s7 =	sld [smem:$0x3FB5]  }
0x2d: {  	s3 =	simm.s32 $0x108;
	s8 =	sld [smem:$0x3FB6]  }
0x2e: {  	s3 =	simm.s32 @!p0 $0x1082;
	s9 =	sld [smem:$0x3FB7]  }
0x2f: {  	lr =	sadd.s32 s0, s3;
	s0 =	sld [smem:$0x3FAE]  }
0x30: {  	s3 =	sld [smem:$0x3FB1]  }
0x31: {  	[smem:$0x3FBA] =	sst s10  }
0x32: {  	s10 =	sld [smem:$0x3FB8];
	_ =	sdelay $0x3  }
0x33: {  	p0 =	seq.s32 s10, $0x1;
	s10 =	sld [smem:$0x3FBA];
	_ =	sdelay $0x3  }
0x34: {  	[smem:$0x3FBA] =	sst s10  }
0x35: {  	s10 =	sld [smem:$0x3FB9];
	_ =	sdelay $0x3  }
0x36: {  	p1 =	seq.s32 s10, $0x1;
	s10 =	sld [smem:$0x3FBA];
	_ =	sdelay $0x3  }
0x37: {  	[smem:$0x3FBA] =	sst s10  }
0x38: {  	s10 =	sld [smem:$0x3FBB]  }
0x39: {  	_ = 	snop;
	(pc) =	sbr.ind lr, $3  }
0x3a: {  	_ = 	snop  }
0x3b: {  	_ = 	snop  }
0x3c: {  	p2 =	seq.s32 s10, $0x1;
	s10 =	sld [smem:$0x3FBA]  }
0x3d: {  	_ =	shalt  }
0x3e: {  	_ =	shalt  }
0x3f: {  	_ =	shalt  }
0x40: {  	_ =	shalt  }
0x41: {  	_ =	shalt  }
0x42: {  	_ =	shalt  }
0x43: {  	_ =	shalt  }
0x44: {  	_ =	shalt  }
0x45: {  	_ =	shalt  }
0x46: {  	_ =	shalt  }
0x47: {  	_ =	shalt  }
0x48: {  	_ =	shalt  }
0x49: {  	_ =	shalt  }
0x4a: {  	_ =	shalt  }
0x4b: {  	_ =	shalt  }
0x4c: {  	_ =	shalt  }
0x4d: {  	_ =	shalt  }
0x4e: {  	_ =	shalt  }
0x4f: {  	_ =	shalt  }
0x50: {  	_ =	shalt  }
0x51: {  	_ =	shalt  }
0x52: {  	_ =	shalt  }
0x53: {  	_ =	shalt  }
0x54: {  	_ =	shalt  }
0x55: {  	_ =	shalt  }
0x56: {  	_ =	shalt  }
0x57: {  	_ =	shalt  }
0x58: {  	_ =	shalt  }
0x59: {  	_ =	shalt  }
0x5a: {  	_ =	shalt  }
0x5b: {  	_ =	shalt  }
0x5c: {  	_ =	shalt  }
0x5d: {  	_ =	shalt  }
0x5e: {  	_ =	shalt  }
0x5f: {  	_ =	shalt  }
0x60: {  	_ =	shalt  }
0x61: {  	_ =	shalt  }
0x62: {  	_ =	shalt  }
0x63: {  	_ =	shalt  }
0x64: {  	_ =	shalt  }
0x65: {  	_ =	shalt  }
0x66: {  	_ =	shalt  }
0x67: {  	_ =	shalt  }
0x68: {  	_ =	shalt  }
0x69: {  	_ =	shalt  }
0x6a: {  	_ =	shalt  }
0x6b: {  	_ =	shalt  }
0x6c: {  	_ =	shalt  }
0x6d: {  	_ =	shalt  }
0x6e: {  	_ =	shalt  }
0x6f: {  	_ =	shalt  }
0x70: {  	_ =	shalt  }
0x71: {  	_ =	shalt  }
0x72: {  	_ =	shalt  }
0x73: {  	_ =	shalt  }
0x74: {  	_ =	shalt  }
0x75: {  	_ =	shalt  }
0x76: {  	_ =	shalt  }
0x77: {  	_ =	shalt  }
0x78: {  	_ =	shalt  }
0x79: {  	_ =	shalt  }
0x7a: {  	_ =	shalt  }
0x7b: {  	_ =	shalt  }
0x7c: {  	_ =	shalt  }
0x7d: {  	_ =	shalt  }
0x7e: {  	_ =	shalt  }
0x7f: {  	_ =	shalt  }
0x80: {  	_ =	shalt  }
0x81: {  	_ =	shalt  }
0x82: {  	_ =	shalt  }
0x83: {  	_ =	shalt  }
0x84: {  	_ =	shalt  }
0x85: {  	_ =	shalt  }
0x86: {  	_ =	shalt  }
0x87: {  	_ =	shalt  }
.Lfunc_end0:
.L_simem_size_0:
called_computation_lowered:
.L_overlay_start_0:
0x88: {  	s2 =	sld [smem:$0x3FD9]  }
0x89: {  	s3 =	sld [smem:$0x3FFE];
	_ =	sdelay $0x1  }
0x8a: {  	s1 =	srdreg.scid  }
0x8b: {  	s0 =	sand.u32 $0x1, s1  }
0x8c: {  	s17 =	sshll.u32 s0, $0xA;
	s2 =	sadd.s32 s3, s2  }
0x8d: {  	s2 =	sadd.s32 s2, s17  }
0x8e: {  	[smem:$0x3FC6] =	sst s2  }
0x8f: {  	_ = 	snop  }
0x90: {  	s2 =	sld [smem:$0x3FC8]  }
0x91: {  	s18 =	sld [smem:$0x3FD0];
	(tm) =	ssettm $0x1  }
0x92: {  	s4 =	sld [smem:$0x3FFB];
	_ =	sdelay $0x3  }
0x93: {  	_ =	strace s4  }
0x94: {  	s4 =	sld [smem:$0x3FFC];
	_ =	sdelay $0x3  }
0x95: {  	_ =	strace s4  }
0x96: {  	s4 =	sld [smem:$0x3FFD];
	_ =	sdelay $0x3  }
0x97: {  	_ =	strace s4  }
0x98: {  	_ =	strace $0x8FFFFFFF  }
0x99: {  	s19 =	sld [smem:$0x3FDB];
	_ =	sdelay $0x1  }
0x9a: {  	s5 =	simm.s32 $_scs_section_size  }
0x9b: {  	s6 =	simm.s32 $_size__tile_overlayer_lowered;
	s7 =	simm.s32 $_tile_overlayer_lowered  }
0x9c: {  	s22 =	simm.s32 $0x1BFF;
	s21 =	sshll.u32 s7, $0x1;
	s4 =	sadd.s32 s5, s19  }
0x9d: {  	s8 =	simm.s32 $0x0;
	s20 =	sshll.u32 s6, $0x1;
	s6 =	sadd.s32 s21, s4  }
0x9e: {  	[timem:s8], [sflag:s22] =	dma.local [hbm:s6], s20  }
0x9f: {  	_ =	swait.ge [sflag:s22], s20  }
0xa0: {  	s5 =	ssub.s32 $0x0, s20;
	[sflag:s22] =	ssyncset.done $0x0  }
0xa1: {  	[sflag:s22] =	ssyncadd.s32 s5;
	_ =	sdelay $0x1  }
0xa2: {  	s23 =	simm.s32 $0x1B8B  }
0xa3: {  	_ =	swait.ge [sflag:s23], $0x1  }
0xa4: {  	[sflag:s23] =	ssyncset.done $0x0  }
0xa5: {  	s25 =	simm.s32 $0x1B8E;
	s24 =	sld [smem:$0x3FFE];
	[sflag:s23] =	ssyncadd.s32 $0xFFFFFFFF  }
0xa6: {  	s26 =	simm.s32 $execute0_lowered;
	[smem:$0x3FD2] =	sst s25  }
0xa7: {  	s6 =	sshll.u32 s26, $0x1;
	_ =	strace $0x80000046;
	[dreg:$0x1] =	wrdreg $0xFFFFFFFF  }
0xa8: {  	s28 =	simm.s32 $_size_execute0_lowered;
	s4 =	sadd.s32 s4, s6;
	[dreg:$0x0] =	wrdreg $0x0  }
0xa9: {  	s6 =	sshll.u32 s28, $0x1;
	[dreg:$0x2] =	wrdreg s4  }
0xaa: {  	[dreg:$0x3] =	wrdreg s6  }
0xab: {  	[dreg:$0x4] =	wrdreg $0xC0  }
0xac: {  	_ =	task [dreg:s8], $0x5FFFF  }
0xad: {  	[dreg:$0x1] =	wrdreg $0xFFFFFFFF  }
0xae: {  	[dreg:$0x0] =	wrdreg $0x60  }
0xaf: {  	[dreg:$0x2] =	wrdreg s24  }
0xb0: {  	[dreg:$0x3] =	wrdreg s2  }
0xb1: {  	[dreg:$0x4] =	wrdreg s18  }
0xb2: {  	[dreg:$0x5] =	wrdreg $0x154000  }
0xb3: {  	[dreg:$0x6] =	wrdreg $0x9  }
0xb4: {  	_ =	task.clear_ibuf [dreg:s8], $0x7FFFF;
	_ =	strace $0x90000046  }
0xb5: {  	s29 =	simm.s32 $0x9;
	_ =	strace $0x80000048  }
0xb6: {  	_ =	swait.ge [sflag:s29], $0x1  }
0xb7: {  	[sflag:s29] =	ssyncadd.s32 $0xFFFFFFFF  }
0xb8: {  	_ =	strace $0x90000048  }
0xb9: {  	_ =	sfence  }
0xba: {  	s30 =	sld [smem:$0x0];
	_ =	sdelay $0x2  }
0xbb: {  	s31 =	sshll.u32 s1, $0xD;
	s1 =	sshrl.u32 s1, $0x2  }
0xbc: {  	s3 =	sand.u32 $0x4000, s31;
	s1 =	sadd.s32 s1, s30  }
0xbd: {  	s0 =	sor.u32 s3, s0;
	s1 =	sshll.u32 s1, $0x11  }
0xbe: {  	s0 =	sor.u32 s1, s0  }
0xbf: {  	s0 =	sadd.s32 $0x8F2B, s0  }
0xc0: {  	[sflag:s0] =	ssyncadd.remote.s32 $0x1  }
0xc1: {  	_ =	sfence.sel $0xFFFF  }
0xc2: {  	[dreg:$0x0] =	wrdreg $0xFFFFFFFF;
	(pc) =	sbr.abs _section_cstart, $3  }
0xc3: {  	[dreg:$0x1] =	wrdreg $0xFFFFFFFF  }
0xc4: {  	_ =	task.clear_ibuf [dreg:s8], $0x2FFFF;
	_ =	strace $0x9FFFFFFF  }
0xc5: {  	(tm) =	ssettm $0x7FFFFFFF  }
tec
execute0_lowered:
.L_overlay_start_1:
0x0: {  	(tag) =	ssettag $0x1  }
0x1: {  	s0 =	rddreg [dreg:$0x0]  }
0x2: {  	s1 =	rddreg [dreg:$0x1]  }
0x3: {  	s2 =	rddreg [dreg:$0x2];
	s3 =	srdreg.scid  }
0x4: {  	s17 =	stileid.u32;
	s4 =	rddreg [dreg:$0x3];
	s14 =	simm.s32 $0x2400  }
0x5: {  	s15 =	simm.s32 $0x2C00;
	s16 =	simm.s32 $0x3400;
	s18 =	simm.s32 $0x3C00  }
0x6: {  	s19 =	simm.s32 $0x4400;
	s20 =	simm.s32 $0x4C00;
	s21 =	simm.s32 $0x5400  }
0x7: {  	s22 =	simm.s32 $0x5C00;
	s30 =	simm.s32 $0x6400;
	s13 =	simm.s32 $0x7C00  }
0x8: {  	s28 =	simm.s32 $0x8C00;
	s29 =	simm.s32 $0x9400;
	s31 =	simm.s32 $0x1  }
0x9: {  	s8 =	sand.u32 $0x1, s3;
	s5 =	sshll.u32 s17, $0x1;
	s10 =	smul.u32 $0x28000, s17  }
0xa: {  	s3 =	simm.s32 $0x0;
	s11 =	smul.u32 $0x64000, s17;
	s6 =	sor.u32 s8, s5  }
0xb: {  	[smem:$0x7FF] =	sst s3;
	s7 =	ssub.s32 $0x2, s8;
	s12 =	smul.u32 $0x32000, s8  }
0xc: {  	s5 =	smul.u32 $0x280, s6;
	_ =	strace $0x80000047;
	s9 =	sshrl.u32 s7, $0x1  }
0xd: {  	s23 =	smul.u32 $0x190000, s6;
	s6 =	sadd.s32 $0x200, s1;
	s10 =	sshrl.u32 s10, $0x2  }
0xe: {  	s9 =	ssub.s32 s7, s9;
	s7 =	sadd.s32 $0x300, s1;
	s8 =	sadd.s32 s10, s4  }
0xf: {  	s4 =	simm.s32 $0x2;
	s10 =	simm.s32 $0x4;
	s0 =	sadd.s32 s5, s0  }
0x10: {  	s5 =	sadd.s32 $0x100, s1;
	s26 =	smax.u32 s9, $0x1;
	s0 =	sadd.s32 $0x400, s0  }
0x11: {  	s9 =	simm.s32 $0x1400;
	[dreg:$0x6] =	wrdreg s0;
	s0 =	sshrl.u32 s23, $0x3  }
0x12: {  	[dreg:$0x9] =	wrdreg s26;
	s26 =	simm.s32 $0x8400;
	s0 =	sadd.s32 s2, s0  }
0x13: {  	s23 =	simm.s32 $0xB400;
	s2 =	sadd.s32 s11, s2;
	s24 =	sadd.s32 $0x2F800, s0  }
0x14: {  	s11 =	simm.s32 $0x1C00;
	s0 =	sadd.s32 $0x30C00, s0;
	[dreg:$0x7] =	wrdreg s24  }
0x15: {  	v2 =	vlaneseq.u32;
	s25 =	sadd.s32 s12, s2;
	s12 =	simm.s32 $0x5;
	[dreg:$0x8] =	wrdreg s0  }
0x16: {  	vm0 =	vmmov $0xffff;
	v1 =	vshrl.u32 v2, $0x3;
	s2 =	simm.s32 $0x3;
	[dreg:$0x5] =	wrdreg s25;
	s0 =	simm.s32 $0x0  }
0x17: {  	v0 =	vand.u32 $0x7, v2;
	v2 =	vor.u32 $0x8, v2;
	v1 =	vmul.u32 $0x8, v1;
	s24 =	simm.s32 $0x6C00;
	s25 =	simm.s32 $0x7400;
	[dreg:$0xa] =	wrdreg s0  }
.LBB2_1:
0x18: {  	s0 =	rddreg [dreg:$0x6]  }
0x19: {  	[tilespmem:s3], [sflag:$0x5] =	stream.linear.gather [hbm4b:s0+s3], $0x1400, $0x38;
	[tilespmem:$0x1F400] =	vst v63  }
0x1a: {  	_ =	swait.ge [sflag:s12], $0x1400  }
0x1b: {  	[sflag:s12] =	ssyncset.done $0x0  }
0x1c: {  	[sflag:s12] =	ssyncadd.s32 $0xFFFFEC00  }
0x1d: {  	v3 =	vld [tilespmem:$0x0];
	_ =	sdelay $0x4  }
0x1e: {  	v4 =	vshll.u32 v3, $0x3  }
0x1f: {  	v3 =	vand.u32 $0x7, v3;
	v4 =	vand.u32 $0xFFFFFFC0, v4  }
0x20: {  	v3 =	vor.u32 v3, v4  }
0x21: {  	v4 =	vperm.xlane v3, v0;
	_ =	sdelay $0x1  }
0x22: {  	v4 =	vadd.s32 v1, v4;
	_ =	sdelay $0x4  }
0x23: {  	[tilespmem:s9], [sflag:$0x1] =	stream.indirect_vreg.gather [hbm4b:s1+s3], $0x80, v4, vm0, $0xb8;
	[tilespmem:$0x1F400] =	vst v63  }
0x24: {  	v3 =	vperm.xlane v3, v2  }
0x25: {  	[tilespmem:s11], [sflag:$0x1] =	stream.indirect_vreg.gather [hbm4b:s5+s3], $0x80, v4, vm0, $0xb8;
	[tilespmem:$0x1F400] =	vst v63  }
0x26: {  	v3 =	vadd.s32 v1, v3  }
0x27: {  	[tilespmem:s14], [sflag:$0x1] =	stream.indirect_vreg.gather [hbm4b:s6+s3], $0x80, v4, vm0, $0xb8;
	[tilespmem:$0x1F400] =	vst v63  }
0x28: {  	_ = 	snop  }
0x29: {  	[tilespmem:s15], [sflag:$0x1] =	stream.indirect_vreg.gather [hbm4b:s7+s3], $0x80, v4, vm0, $0xb8;
	[tilespmem:$0x1F400] =	vst v63  }
0x2a: {  	_ = 	snop  }
0x2b: {  	[tilespmem:s16], [sflag:$0x1] =	stream.indirect_vreg.gather [hbm4b:s1+s3], $0x80, v3, vm0, $0xb8;
	[tilespmem:$0x1F400] =	vst v63  }
0x2c: {  	_ = 	snop  }
0x2d: {  	[tilespmem:s18], [sflag:$0x1] =	stream.indirect_vreg.gather [hbm4b:s5+s3], $0x80, v3, vm0, $0xb8;
	[tilespmem:$0x1F400] =	vst v63  }
0x2e: {  	_ = 	snop  }
0x2f: {  	[tilespmem:s19], [sflag:$0x1] =	stream.indirect_vreg.gather [hbm4b:s6+s3], $0x80, v3, vm0, $0xb8;
	[tilespmem:$0x1F400] =	vst v63  }
0x30: {  	_ = 	snop  }
0x31: {  	[tilespmem:s20], [sflag:$0x1] =	stream.indirect_vreg.gather [hbm4b:s7+s3], $0x80, v3, vm0, $0xb8;
	[tilespmem:$0x1F400] =	vst v63  }
0x32: {  	v3 =	vld [tilespmem:$0x10];
	_ =	sdelay $0x4  }
0x33: {  	v59 =	vshll.u32 v3, $0x3  }
0x34: {  	v3 =	vand.u32 $0x7, v3;
	v4 =	vand.u32 $0xFFFFFFC0, v59  }
0x35: {  	v3 =	vor.u32 v3, v4  }
0x36: {  	v4 =	vperm.xlane v3, v0;
	_ =	sdelay $0x1  }
0x37: {  	v4 =	vadd.s32 v1, v4;
	_ =	sdelay $0x4  }
0x38: {  	[tilespmem:s21], [sflag:$0x1] =	stream.indirect_vreg.gather [hbm4b:s1+s3], $0x80, v4, vm0, $0xb8;
	[tilespmem:$0x1F400] =	vst v63  }
0x39: {  	v3 =	vperm.xlane v3, v2  }
0x3a: {  	[tilespmem:s22], [sflag:$0x1] =	stream.indirect_vreg.gather [hbm4b:s5+s3], $0x80, v4, vm0, $0xb8;
	[tilespmem:$0x1F400] =	vst v63  }
0x3b: {  	v3 =	vadd.s32 v1, v3  }
0x3c: {  	[tilespmem:s30], [sflag:$0x1] =	stream.indirect_vreg.gather [hbm4b:s6+s3], $0x80, v4, vm0, $0xb8;
	[tilespmem:$0x1F400] =	vst v63  }
0x3d: {  	_ = 	snop  }
0x3e: {  	[tilespmem:s24], [sflag:$0x1] =	stream.indirect_vreg.gather [hbm4b:s7+s3], $0x80, v4, vm0, $0xb8;
	[tilespmem:$0x1F400] =	vst v63  }
0x3f: {  	_ = 	snop  }
0x40: {  	[tilespmem:s25], [sflag:$0x1] =	stream.indirect_vreg.gather [hbm4b:s1+s3], $0x80, v3, vm0, $0xb8;
	[tilespmem:$0x1F400] =	vst v63  }
0x41: {  	_ = 	snop  }
0x42: {  	[tilespmem:s13], [sflag:$0x1] =	stream.indirect_vreg.gather [hbm4b:s5+s3], $0x80, v3, vm0, $0xb8;
	[tilespmem:$0x1F400] =	vst v63  }
0x43: {  	_ = 	snop  }
0x44: {  	[tilespmem:s26], [sflag:$0x1] =	stream.indirect_vreg.gather [hbm4b:s6+s3], $0x80, v3, vm0, $0xb8;
	[tilespmem:$0x1F400] =	vst v63  }
0x45: {  	_ = 	snop  }
0x46: {  	[tilespmem:s28], [sflag:$0x1] =	stream.indirect_vreg.gather [hbm4b:s7+s3], $0x80, v3, vm0, $0xb8;
	[tilespmem:$0x1F400] =	vst v63  }
0x47: {  	v3 =	vld.msk [tilespmem:$0x20], $0xff;
	_ =	sdelay $0x4  }
0x48: {  	v60 =	vshll.u32 v3, $0x3  }
0x49: {  	v3 =	vand.u32 $0x7, v3;
	v4 =	vand.u32 $0xFFFFFFC0, v60  }
0x4a: {  	v3 =	vor.u32 v3, v4  }
0x4b: {  	v3 =	vperm.xlane v3, v0;
	_ =	sdelay $0x1  }
0x4c: {  	v3 =	vadd.s32 v1, v3;
	_ =	sdelay $0x4  }
0x4d: {  	[tilespmem:s29], [sflag:$0x1] =	stream.indirect_vreg.gather [hbm4b:s1+s3], $0x80, v3, vm0, $0xb8;
	[tilespmem:$0x1F400] =	vst v63  }
0x4e: {  	s21 =	simm.s32 $0x9C00  }
0x4f: {  	[tilespmem:s21], [sflag:$0x1] =	stream.indirect_vreg.gather [hbm4b:s5+s3], $0x80, v3, vm0, $0xb8;
	[tilespmem:$0x1F400] =	vst v63  }
0x50: {  	s22 =	simm.s32 $0xA400  }
0x51: {  	[tilespmem:s22], [sflag:$0x1] =	stream.indirect_vreg.gather [hbm4b:s6+s3], $0x80, v3, vm0, $0xb8;
	[tilespmem:$0x1F400] =	vst v63  }
0x52: {  	s24 =	simm.s32 $0xAC00  }
0x53: {  	[tilespmem:s24], [sflag:$0x1] =	stream.indirect_vreg.gather [hbm4b:s7+s3], $0x80, v3, vm0, $0xb8;
	[tilespmem:$0x1F400] =	vst v63  }
0x54: {  	v3 =	vld [tilespmem:$0x80];
	_ =	sdelay $0x4  }
0x55: {  	v61 =	vshll.u32 v3, $0x3  }
0x56: {  	v3 =	vand.u32 $0x7, v3;
	v4 =	vand.u32 $0xFFFFFFC0, v61  }
0x57: {  	v3 =	vor.u32 v3, v4  }
0x58: {  	v4 =	vperm.xlane v3, v0;
	_ =	sdelay $0x1  }
0x59: {  	v4 =	vadd.s32 v1, v4;
	_ =	sdelay $0x4  }
0x5a: {  	[tilespmem:s23], [sflag:$0x2] =	stream.indirect_vreg.gather [hbm4b:s1+s3], $0x80, v4, vm0, $0xb8;
	[tilespmem:$0x1F400] =	vst v63  }
0x5b: {  	s25 =	simm.s32 $0xBC00;
	v3 =	vperm.xlane v3, v2  }
0x5c: {  	[tilespmem:s25], [sflag:$0x2] =	stream.indirect_vreg.gather [hbm4b:s5+s3], $0x80, v4, vm0, $0xb8;
	[tilespmem:$0x1F400] =	vst v63  }
0x5d: {  	s26 =	simm.s32 $0xC400;
	v3 =	vadd.s32 v1, v3  }
0x5e: {  	[tilespmem:s26], [sflag:$0x2] =	stream.indirect_vreg.gather [hbm4b:s6+s3], $0x80, v4, vm0, $0xb8;
	[tilespmem:$0x1F400] =	vst v63  }
0x5f: {  	s9 =	simm.s32 $0xCC00  }
0x60: {  	[tilespmem:s9], [sflag:$0x2] =	stream.indirect_vreg.gather [hbm4b:s7+s3], $0x80, v4, vm0, $0xb8;
	[tilespmem:$0x1F400] =	vst v63  }
0x61: {  	s11 =	simm.s32 $0xD400  }
0x62: {  	[tilespmem:s11], [sflag:$0x2] =	stream.indirect_vreg.gather [hbm4b:s1+s3], $0x80, v3, vm0, $0xb8;
	[tilespmem:$0x1F400] =	vst v63  }
0x63: {  	s13 =	simm.s32 $0xDC00  }
0x64: {  	[tilespmem:s13], [sflag:$0x2] =	stream.indirect_vreg.gather [hbm4b:s5+s3], $0x80, v3, vm0, $0xb8;
	[tilespmem:$0x1F400] =	vst v63  }
0x65: {  	s14 =	simm.s32 $0xE400  }
0x66: {  	[tilespmem:s14], [sflag:$0x2] =	stream.indirect_vreg.gather [hbm4b:s6+s3], $0x80, v3, vm0, $0xb8;
	[tilespmem:$0x1F400] =	vst v63  }
0x67: {  	s15 =	simm.s32 $0xEC00  }
0x68: {  	[tilespmem:s15], [sflag:$0x2] =	stream.indirect_vreg.gather [hbm4b:s7+s3], $0x80, v3, vm0, $0xb8;
	[tilespmem:$0x1F400] =	vst v63  }
0x69: {  	v3 =	vld [tilespmem:$0x90];
	_ =	sdelay $0x4  }
0x6a: {  	v62 =	vshll.u32 v3, $0x3  }
0x6b: {  	v3 =	vand.u32 $0x7, v3;
	v4 =	vand.u32 $0xFFFFFFC0, v62  }
0x6c: {  	v3 =	vor.u32 v3, v4  }
0x6d: {  	v4 =	vperm.xlane v3, v0;
	_ =	sdelay $0x1  }
0x6e: {  	v4 =	vadd.s32 v1, v4;
	_ =	sdelay $0x3  }
0x6f: {  	s16 =	simm.s32 $0xF400  }
0x70: {  	[tilespmem:s16], [sflag:$0x2] =	stream.indirect_vreg.gather [hbm4b:s1+s3], $0x80, v4, vm0, $0xb8;
	[tilespmem:$0x1F400] =	vst v63  }
0x71: {  	s18 =	simm.s32 $0xFC00;
	v3 =	vperm.xlane v3, v2  }
0x72: {  	[tilespmem:s18], [sflag:$0x2] =	stream.indirect_vreg.gather [hbm4b:s5+s3], $0x80, v4, vm0, $0xb8;
	[tilespmem:$0x1F400] =	vst v63  }
0x73: {  	s19 =	simm.s32 $0x10400;
	v3 =	vadd.s32 v1, v3  }
0x74: {  	[tilespmem:s19], [sflag:$0x2] =	stream.indirect_vreg.gather [hbm4b:s6+s3], $0x80, v4, vm0, $0xb8;
	[tilespmem:$0x1F400] =	vst v63  }
0x75: {  	s20 =	simm.s32 $0x10C00  }
0x76: {  	[tilespmem:s20], [sflag:$0x2] =	stream.indirect_vreg.gather [hbm4b:s7+s3], $0x80, v4, vm0, $0xb8;
	[tilespmem:$0x1F400] =	vst v63  }
0x77: {  	s21 =	simm.s32 $0x11400  }
0x78: {  	[tilespmem:s21], [sflag:$0x2] =	stream.indirect_vreg.gather [hbm4b:s1+s3], $0x80, v3, vm0, $0xb8;
	[tilespmem:$0x1F400] =	vst v63  }
0x79: {  	s22 =	simm.s32 $0x11C00  }
0x7a: {  	[tilespmem:s22], [sflag:$0x2] =	stream.indirect_vreg.gather [hbm4b:s5+s3], $0x80, v3, vm0, $0xb8;
	[tilespmem:$0x1F400] =	vst v63  }
0x7b: {  	s23 =	simm.s32 $0x12400  }
0x7c: {  	[tilespmem:s23], [sflag:$0x2] =	stream.indirect_vreg.gather [hbm4b:s6+s3], $0x80, v3, vm0, $0xb8;
	[tilespmem:$0x1F400] =	vst v63  }
0x7d: {  	s24 =	simm.s32 $0x12C00  }
0x7e: {  	[tilespmem:s24], [sflag:$0x2] =	stream.indirect_vreg.gather [hbm4b:s7+s3], $0x80, v3, vm0, $0xb8;
	[tilespmem:$0x1F400] =	vst v63  }
0x7f: {  	v3 =	vld.msk [tilespmem:$0xA0], $0xff;
	_ =	sdelay $0x4  }
0x80: {  	v63 =	vshll.u32 v3, $0x3  }
0x81: {  	v3 =	vand.u32 $0x7, v3;
	v4 =	vand.u32 $0xFFFFFFC0, v63  }
0x82: {  	v3 =	vor.u32 v3, v4  }
0x83: {  	v3 =	vperm.xlane v3, v0;
	_ =	sdelay $0x1  }
0x84: {  	v3 =	vadd.s32 v1, v3;
	_ =	sdelay $0x2  }
0x85: {  	s0 =	simm.s32 $0x1A0;
	s30 =	simm.s32 $0x7400;
	s28 =	simm.s32 $0x9400  }
0x86: {  	s29 =	simm.s32 $0x6C00;
	s25 =	simm.s32 $0x13400;
	s26 =	simm.s32 $0x13C00  }
0x87: {  	[tilespmem:s25], [sflag:$0x2] =	stream.indirect_vreg.gather [hbm4b:s1+s3], $0x80, v3, vm0, $0xb8;
	[tilespmem:$0x1F400] =	vst v63  }
0x88: {  	s13 =	simm.s32 $0x7C00;
	s14 =	simm.s32 $0x0;
	s18 =	simm.s32 $0x14400  }
0x89: {  	[tilespmem:s26], [sflag:$0x2] =	stream.indirect_vreg.gather [hbm4b:s5+s3], $0x80, v3, vm0, $0xb8;
	[tilespmem:$0x1F400] =	vst v63  }
0x8a: {  	s19 =	simm.s32 $0x8400;
	s20 =	simm.s32 $0x2C00;
	s21 =	simm.s32 $0x3400  }
0x8b: {  	[tilespmem:s18], [sflag:$0x2] =	stream.indirect_vreg.gather [hbm4b:s6+s3], $0x80, v3, vm0, $0xb8;
	[tilespmem:$0x1F400] =	vst v63  }
0x8c: {  	s24 =	simm.s32 $0x4C00;
	s25 =	simm.s32 $0x5400;
	s26 =	simm.s32 $0x14C00  }
0x8d: {  	[tilespmem:s26], [sflag:$0x2] =	stream.indirect_vreg.gather [hbm4b:s7+s3], $0x80, v3, vm0, $0xb8;
	[tilespmem:$0x1F400] =	vst v63  }
.LBB2_2:
0x8e: {  	_ =	swait.ge [sflag:s31], $0xA000  }
0x8f: {  	[sflag:s31] =	ssyncset.done $0x0  }
0x90: {  	s23 =	simm.s32 $0x1400;
	[sflag:s31] =	ssyncadd.s32 $0xFFFF6000  }
0x91: {  	[spmem:s8] =	stream.linear.scatter [tilespmem:s23], [sflag:$0x5], $0xA000, $0x38;
	[tilespmem:$0x1F400] =	vst v63  }
0x92: {  	s16 =	sshll.u32 s17, $0x6;
	_ =	swait.ge [sflag:s12], $0xA000  }
0x93: {  	s15 =	sor.u32 $0x1C03, s16;
	s11 =	rddreg [dreg:$0x5];
	[sflag:s12] =	ssyncset.done $0x0  }
0x94: {  	[sflag:s12] =	ssyncadd.s32 $0xFFFF6000;
	s17 =	sadd.s32 s14, s11;
	s11 =	sshrl.u32 s8, $0x3  }
0x95: {  	[hbm:s17], [sflag:s15] =	dma.local [spmem:s11], $0x1400  }
0x96: {  	_ =	swait.ge [sflag:s2], $0x1400  }
0x97: {  	[sflag:s2] =	ssyncset.done $0x0  }
0x98: {  	[sflag:s2] =	ssyncadd.s32 $0xFFFFEC00  }
0x99: {  	v3 =	vld [tilespmem:s0+$0xFFFFFF60];
	_ =	sdelay $0x4  }
0x9a: {  	v4 =	vshll.u32 v3, $0x3  }
0x9b: {  	v3 =	vand.u32 $0x7, v3;
	v4 =	vand.u32 $0xFFFFFFC0, v4  }
0x9c: {  	v3 =	vor.u32 v3, v4  }
0x9d: {  	v4 =	vperm.xlane v3, v0;
	_ =	sdelay $0x1  }
0x9e: {  	v4 =	vadd.s32 v1, v4;
	_ =	sdelay $0x4  }
0x9f: {  	[tilespmem:s23], [sflag:$0x1] =	stream.indirect_vreg.gather [hbm4b:s1+s3], $0x80, v4, vm0, $0xb8;
	[tilespmem:$0x1F400] =	vst v63  }
0xa0: {  	s22 =	simm.s32 $0x1C00;
	v3 =	vperm.xlane v3, v2  }
0xa1: {  	[tilespmem:s22], [sflag:$0x1] =	stream.indirect_vreg.gather [hbm4b:s5+s3], $0x80, v4, vm0, $0xb8;
	[tilespmem:$0x1F400] =	vst v63  }
0xa2: {  	v3 =	vadd.s32 v1, v3;
	s23 =	simm.s32 $0x2400  }
0xa3: {  	[tilespmem:s23], [sflag:$0x1] =	stream.indirect_vreg.gather [hbm4b:s6+s3], $0x80, v4, vm0, $0xb8;
	[tilespmem:$0x1F400] =	vst v63  }
0xa4: {  	_ = 	snop  }
0xa5: {  	[tilespmem:s20], [sflag:$0x1] =	stream.indirect_vreg.gather [hbm4b:s7+s3], $0x80, v4, vm0, $0xb8;
	[tilespmem:$0x1F400] =	vst v63  }
0xa6: {  	_ = 	snop  }
0xa7: {  	[tilespmem:s21], [sflag:$0x1] =	stream.indirect_vreg.gather [hbm4b:s1+s3], $0x80, v3, vm0, $0xb8;
	[tilespmem:$0x1F400] =	vst v63  }
0xa8: {  	s23 =	simm.s32 $0x3C00  }
0xa9: {  	[tilespmem:s23], [sflag:$0x1] =	stream.indirect_vreg.gather [hbm4b:s5+s3], $0x80, v3, vm0, $0xb8;
	[tilespmem:$0x1F400] =	vst v63  }
0xaa: {  	s23 =	simm.s32 $0x4400  }
0xab: {  	[tilespmem:s23], [sflag:$0x1] =	stream.indirect_vreg.gather [hbm4b:s6+s3], $0x80, v3, vm0, $0xb8;
	[tilespmem:$0x1F400] =	vst v63  }
0xac: {  	_ = 	snop  }
0xad: {  	[tilespmem:s24], [sflag:$0x1] =	stream.indirect_vreg.gather [hbm4b:s7+s3], $0x80, v3, vm0, $0xb8;
	[tilespmem:$0x1F400] =	vst v63  }
0xae: {  	v3 =	vld [tilespmem:s0+$0xFFFFFF70];
	_ =	sdelay $0x4  }
0xaf: {  	v59 =	vshll.u32 v3, $0x3  }
0xb0: {  	v3 =	vand.u32 $0x7, v3;
	v4 =	vand.u32 $0xFFFFFFC0, v59  }
0xb1: {  	v3 =	vor.u32 v3, v4  }
0xb2: {  	v4 =	vperm.xlane v3, v0;
	_ =	sdelay $0x1  }
0xb3: {  	v4 =	vadd.s32 v1, v4;
	_ =	sdelay $0x4  }
0xb4: {  	[tilespmem:s25], [sflag:$0x1] =	stream.indirect_vreg.gather [hbm4b:s1+s3], $0x80, v4, vm0, $0xb8;
	[tilespmem:$0x1F400] =	vst v63  }
0xb5: {  	s23 =	simm.s32 $0x5C00;
	v3 =	vperm.xlane v3, v2  }
0xb6: {  	[tilespmem:s23], [sflag:$0x1] =	stream.indirect_vreg.gather [hbm4b:s5+s3], $0x80, v4, vm0, $0xb8;
	[tilespmem:$0x1F400] =	vst v63  }
0xb7: {  	v3 =	vadd.s32 v1, v3;
	s23 =	simm.s32 $0x6400  }
0xb8: {  	[tilespmem:s23], [sflag:$0x1] =	stream.indirect_vreg.gather [hbm4b:s6+s3], $0x80, v4, vm0, $0xb8;
	[tilespmem:$0x1F400] =	vst v63  }
0xb9: {  	_ = 	snop  }
0xba: {  	[tilespmem:s29], [sflag:$0x1] =	stream.indirect_vreg.gather [hbm4b:s7+s3], $0x80, v4, vm0, $0xb8;
	[tilespmem:$0x1F400] =	vst v63  }
0xbb: {  	_ = 	snop  }
0xbc: {  	[tilespmem:s30], [sflag:$0x1] =	stream.indirect_vreg.gather [hbm4b:s1+s3], $0x80, v3, vm0, $0xb8;
	[tilespmem:$0x1F400] =	vst v63  }
0xbd: {  	_ = 	snop  }
0xbe: {  	[tilespmem:s13], [sflag:$0x1] =	stream.indirect_vreg.gather [hbm4b:s5+s3], $0x80, v3, vm0, $0xb8;
	[tilespmem:$0x1F400] =	vst v63  }
0xbf: {  	_ = 	snop  }
0xc0: {  	[tilespmem:s19], [sflag:$0x1] =	stream.indirect_vreg.gather [hbm4b:s6+s3], $0x80, v3, vm0, $0xb8;
	[tilespmem:$0x1F400] =	vst v63  }
0xc1: {  	s23 =	simm.s32 $0x8C00  }
0xc2: {  	[tilespmem:s23], [sflag:$0x1] =	stream.indirect_vreg.gather [hbm4b:s7+s3], $0x80, v3, vm0, $0xb8;
	[tilespmem:$0x1F400] =	vst v63  }
0xc3: {  	v3 =	vld.msk [tilespmem:s0+$0xFFFFFF80], $0xff;
	_ =	sdelay $0x4  }
0xc4: {  	v60 =	vshll.u32 v3, $0x3  }
0xc5: {  	v3 =	vand.u32 $0x7, v3;
	v4 =	vand.u32 $0xFFFFFFC0, v60  }
0xc6: {  	v3 =	vor.u32 v3, v4  }
0xc7: {  	v3 =	vperm.xlane v3, v0;
	_ =	sdelay $0x1  }
0xc8: {  	v3 =	vadd.s32 v1, v3;
	_ =	sdelay $0x4  }
0xc9: {  	[tilespmem:s28], [sflag:$0x1] =	stream.indirect_vreg.gather [hbm4b:s1+s3], $0x80, v3, vm0, $0xb8;
	[tilespmem:$0x1F400] =	vst v63  }
0xca: {  	s23 =	simm.s32 $0x9C00  }
0xcb: {  	[tilespmem:s23], [sflag:$0x1] =	stream.indirect_vreg.gather [hbm4b:s5+s3], $0x80, v3, vm0, $0xb8;
	[tilespmem:$0x1F400] =	vst v63  }
0xcc: {  	s23 =	simm.s32 $0xA400  }
0xcd: {  	[tilespmem:s23], [sflag:$0x1] =	stream.indirect_vreg.gather [hbm4b:s6+s3], $0x80, v3, vm0, $0xb8;
	[tilespmem:$0x1F400] =	vst v63  }
0xce: {  	s23 =	simm.s32 $0xAC00  }
0xcf: {  	[tilespmem:s23], [sflag:$0x1] =	stream.indirect_vreg.gather [hbm4b:s7+s3], $0x80, v3, vm0, $0xb8;
	[tilespmem:$0x1F400] =	vst v63  }
0xd0: {  	_ =	swait.ge [sflag:s4], $0xA000  }
0xd1: {  	[sflag:s4] =	ssyncset.done $0x0  }
0xd2: {  	s22 =	simm.s32 $0xB400;
	[sflag:s4] =	ssyncadd.s32 $0xFFFF6000  }
0xd3: {  	[spmem:s8] =	stream.linear.scatter [tilespmem:s22], [sflag:$0x5], $0xA000, $0x38;
	[tilespmem:$0x1F400] =	vst v63  }
0xd4: {  	_ =	swait.ge [sflag:s12], $0xA000  }
0xd5: {  	[sflag:s12] =	ssyncset.done $0x0  }
0xd6: {  	s16 =	sor.u32 $0x1C04, s16;
	s17 =	sadd.s32 $0x1400, s17;
	[sflag:s12] =	ssyncadd.s32 $0xFFFF6000  }
0xd7: {  	[hbm:s17], [sflag:s16] =	dma.local [spmem:s11], $0x1400  }
0xd8: {  	_ =	swait.ge [sflag:s10], $0x1400  }
0xd9: {  	[sflag:s10] =	ssyncset.done $0x0  }
0xda: {  	[sflag:s10] =	ssyncadd.s32 $0xFFFFEC00  }
0xdb: {  	v3 =	vld [tilespmem:s0+$0xFFFFFFE0];
	_ =	sdelay $0x4  }
0xdc: {  	v61 =	vshll.u32 v3, $0x3  }
0xdd: {  	v3 =	vand.u32 $0x7, v3;
	v4 =	vand.u32 $0xFFFFFFC0, v61  }
0xde: {  	v3 =	vor.u32 v3, v4  }
0xdf: {  	v4 =	vperm.xlane v3, v0;
	_ =	sdelay $0x1  }
0xe0: {  	v4 =	vadd.s32 v1, v4;
	_ =	sdelay $0x4  }
0xe1: {  	[tilespmem:s22], [sflag:$0x2] =	stream.indirect_vreg.gather [hbm4b:s1+s3], $0x80, v4, vm0, $0xb8;
	[tilespmem:$0x1F400] =	vst v63  }
0xe2: {  	v3 =	vperm.xlane v3, v2;
	s22 =	simm.s32 $0xBC00  }
0xe3: {  	[tilespmem:s22], [sflag:$0x2] =	stream.indirect_vreg.gather [hbm4b:s5+s3], $0x80, v4, vm0, $0xb8;
	[tilespmem:$0x1F400] =	vst v63  }
0xe4: {  	v3 =	vadd.s32 v1, v3;
	s22 =	simm.s32 $0xC400  }
0xe5: {  	[tilespmem:s22], [sflag:$0x2] =	stream.indirect_vreg.gather [hbm4b:s6+s3], $0x80, v4, vm0, $0xb8;
	[tilespmem:$0x1F400] =	vst v63  }
0xe6: {  	s22 =	simm.s32 $0xCC00  }
0xe7: {  	[tilespmem:s22], [sflag:$0x2] =	stream.indirect_vreg.gather [hbm4b:s7+s3], $0x80, v4, vm0, $0xb8;
	[tilespmem:$0x1F400] =	vst v63  }
0xe8: {  	s22 =	simm.s32 $0xD400  }
0xe9: {  	[tilespmem:s22], [sflag:$0x2] =	stream.indirect_vreg.gather [hbm4b:s1+s3], $0x80, v3, vm0, $0xb8;
	[tilespmem:$0x1F400] =	vst v63  }
0xea: {  	s22 =	simm.s32 $0xDC00  }
0xeb: {  	[tilespmem:s22], [sflag:$0x2] =	stream.indirect_vreg.gather [hbm4b:s5+s3], $0x80, v3, vm0, $0xb8;
	[tilespmem:$0x1F400] =	vst v63  }
0xec: {  	s22 =	simm.s32 $0xE400  }
0xed: {  	[tilespmem:s22], [sflag:$0x2] =	stream.indirect_vreg.gather [hbm4b:s6+s3], $0x80, v3, vm0, $0xb8;
	[tilespmem:$0x1F400] =	vst v63  }
0xee: {  	s22 =	simm.s32 $0xEC00  }
0xef: {  	[tilespmem:s22], [sflag:$0x2] =	stream.indirect_vreg.gather [hbm4b:s7+s3], $0x80, v3, vm0, $0xb8;
	[tilespmem:$0x1F400] =	vst v63  }
0xf0: {  	v3 =	vld [tilespmem:s0+$0xFFFFFFF0];
	_ =	sdelay $0x4  }
0xf1: {  	v62 =	vshll.u32 v3, $0x3  }
0xf2: {  	v3 =	vand.u32 $0x7, v3;
	v4 =	vand.u32 $0xFFFFFFC0, v62  }
0xf3: {  	v3 =	vor.u32 v3, v4  }
0xf4: {  	v4 =	vperm.xlane v3, v0;
	_ =	sdelay $0x1  }
0xf5: {  	v4 =	vadd.s32 v1, v4;
	_ =	sdelay $0x3  }
0xf6: {  	s22 =	simm.s32 $0xF400  }
0xf7: {  	[tilespmem:s22], [sflag:$0x2] =	stream.indirect_vreg.gather [hbm4b:s1+s3], $0x80, v4, vm0, $0xb8;
	[tilespmem:$0x1F400] =	vst v63  }
0xf8: {  	v3 =	vperm.xlane v3, v2;
	s22 =	simm.s32 $0xFC00  }
0xf9: {  	[tilespmem:s22], [sflag:$0x2] =	stream.indirect_vreg.gather [hbm4b:s5+s3], $0x80, v4, vm0, $0xb8;
	[tilespmem:$0x1F400] =	vst v63  }
0xfa: {  	v3 =	vadd.s32 v1, v3;
	s22 =	simm.s32 $0x10400  }
0xfb: {  	[tilespmem:s22], [sflag:$0x2] =	stream.indirect_vreg.gather [hbm4b:s6+s3], $0x80, v4, vm0, $0xb8;
	[tilespmem:$0x1F400] =	vst v63  }
0xfc: {  	s22 =	simm.s32 $0x10C00  }
0xfd: {  	[tilespmem:s22], [sflag:$0x2] =	stream.indirect_vreg.gather [hbm4b:s7+s3], $0x80, v4, vm0, $0xb8;
	[tilespmem:$0x1F400] =	vst v63  }
0xfe: {  	s22 =	simm.s32 $0x11400  }
0xff: {  	[tilespmem:s22], [sflag:$0x2] =	stream.indirect_vreg.gather [hbm4b:s1+s3], $0x80, v3, vm0, $0xb8;
	[tilespmem:$0x1F400] =	vst v63  }
0x100: {  	s22 =	simm.s32 $0x11C00  }
0x101: {  	[tilespmem:s22], [sflag:$0x2] =	stream.indirect_vreg.gather [hbm4b:s5+s3], $0x80, v3, vm0, $0xb8;
	[tilespmem:$0x1F400] =	vst v63  }
0x102: {  	s22 =	simm.s32 $0x12400  }
0x103: {  	[tilespmem:s22], [sflag:$0x2] =	stream.indirect_vreg.gather [hbm4b:s6+s3], $0x80, v3, vm0, $0xb8;
	[tilespmem:$0x1F400] =	vst v63  }
0x104: {  	s22 =	simm.s32 $0x12C00  }
0x105: {  	[tilespmem:s22], [sflag:$0x2] =	stream.indirect_vreg.gather [hbm4b:s7+s3], $0x80, v3, vm0, $0xb8;
	[tilespmem:$0x1F400] =	vst v63  }
0x106: {  	v3 =	vld.msk [tilespmem:s0+$0x0], $0xff;
	_ =	sdelay $0x4  }
0x107: {  	v63 =	vshll.u32 v3, $0x3  }
0x108: {  	v3 =	vand.u32 $0x7, v3;
	v4 =	vand.u32 $0xFFFFFFC0, v63  }
0x109: {  	v3 =	vor.u32 v3, v4  }
0x10a: {  	v3 =	vperm.xlane v3, v0;
	_ =	sdelay $0x1  }
0x10b: {  	v3 =	vadd.s32 v1, v3;
	_ =	sdelay $0x3  }
0x10c: {  	s22 =	simm.s32 $0x13400  }
0x10d: {  	[tilespmem:s22], [sflag:$0x2] =	stream.indirect_vreg.gather [hbm4b:s1+s3], $0x80, v3, vm0, $0xb8;
	[tilespmem:$0x1F400] =	vst v63  }
0x10e: {  	p0 =	sne.s32 s14, $0x2D000;
	s22 =	simm.s32 $0x13C00  }
0x10f: {  	[tilespmem:s22], [sflag:$0x2] =	stream.indirect_vreg.gather [hbm4b:s5+s3], $0x80, v3, vm0, $0xb8;
	[tilespmem:$0x1F400] =	vst v63  }
.Ltmp0:
0x110: {  	_ = 	snop;
	(pc) =	sbr.rel @p0 .LBB2_2-.Ltmp0, $4  }
0x111: {  	s9 =	simm.s32 $0x1400;
	s14 =	sadd.s32 $0x2800, s14  }
0x112: {  	[tilespmem:s18], [sflag:$0x2] =	stream.indirect_vreg.gather [hbm4b:s6+s3], $0x80, v3, vm0, $0xb8;
	[tilespmem:$0x1F400] =	vst v63  }
0x113: {  	s23 =	simm.s32 $0xB400;
	s17 =	stileid.u32;
	s0 =	sadd.s32 $0x100, s0  }
0x114: {  	[tilespmem:s26], [sflag:$0x2] =	stream.indirect_vreg.gather [hbm4b:s7+s3], $0x80, v3, vm0, $0xb8;
	[tilespmem:$0x1F400] =	vst v63  }
0x115: {  	_ =	swait.ge [sflag:s31], $0xA000  }
0x116: {  	[sflag:s31] =	ssyncset.done $0x0  }
0x117: {  	[sflag:s31] =	ssyncadd.s32 $0xFFFF6000  }
0x118: {  	[spmem:s8] =	stream.linear.scatter [tilespmem:s9], [sflag:$0x5], $0xA000, $0x38;
	[tilespmem:$0x1F400] =	vst v63  }
0x119: {  	_ =	swait.ge [sflag:s12], $0xA000  }
0x11a: {  	[sflag:s12] =	ssyncset.done $0x0  }
0x11b: {  	s0 =	rddreg [dreg:$0x7];
	[sflag:s12] =	ssyncadd.s32 $0xFFFF6000  }
0x11c: {  	[hbm:s0], [sflag:s15] =	dma.local [spmem:s11], $0x1400  }
0x11d: {  	_ =	swait.ge [sflag:s2], $0x1400  }
0x11e: {  	[sflag:s2] =	ssyncset.done $0x0  }
0x11f: {  	[sflag:s2] =	ssyncadd.s32 $0xFFFFEC00  }
0x120: {  	_ =	swait.ge [sflag:s4], $0xA000  }
0x121: {  	[sflag:s4] =	ssyncset.done $0x0  }
0x122: {  	[sflag:s4] =	ssyncadd.s32 $0xFFFF6000  }
0x123: {  	[spmem:s8] =	stream.linear.scatter [tilespmem:s23], [sflag:$0x5], $0xA000, $0x38;
	[tilespmem:$0x1F400] =	vst v63  }
0x124: {  	_ =	swait.ge [sflag:s12], $0xA000  }
0x125: {  	[sflag:s12] =	ssyncset.done $0x0  }
0x126: {  	s24 =	rddreg [dreg:$0x8];
	[sflag:s12] =	ssyncadd.s32 $0xFFFF6000  }
0x127: {  	[hbm:s24], [sflag:s16] =	dma.local [spmem:s11], $0x1400  }
0x128: {  	_ =	swait.ge [sflag:s10], $0x1400  }
0x129: {  	s14 =	simm.s32 $0x2400;
	s18 =	simm.s32 $0x3C00;
	s25 =	rddreg [dreg:$0xa]  }
0x12a: {  	s19 =	simm.s32 $0x4400;
	s26 =	rddreg [dreg:$0x9];
	s11 =	sadd.s32 $0x1, s25  }
0x12b: {  	s20 =	simm.s32 $0x4C00;
	s21 =	simm.s32 $0x5400;
	p0 =	sne.s32 s11, s26  }
.Ltmp1:
0x12c: {  	s22 =	simm.s32 $0x5C00;
	s30 =	simm.s32 $0x6400;
	(pc) =	sbr.rel @p0 .LBB2_1-.Ltmp1, $4  }
0x12d: {  	s13 =	simm.s32 $0x7C00;
	s28 =	simm.s32 $0x8C00;
	s29 =	simm.s32 $0x9400  }
0x12e: {  	s15 =	simm.s32 $0x2C00;
	s16 =	simm.s32 $0x3400;
	[sflag:s10] =	ssyncset.done $0x0  }
0x12f: {  	s24 =	simm.s32 $0x6C00;
	[sflag:s10] =	ssyncadd.s32 $0xFFFFEC00;
	s25 =	simm.s32 $0x7400  }
0x130: {  	[dreg:$0xa] =	wrdreg s11;
	s11 =	simm.s32 $0x1C00;
	s26 =	simm.s32 $0x8400  }
0x131: {  	_ =	sfence.sel $0x180000  }
0x132: {  	[bflag:$0x0] =	sbarrier.arrive $0xFFFF  }
0x133: {  	_ =	strace $0x90000047  }
0x134: {  	[bflag:$0x2] =	sbarrier.arrive $0xFFFF  }
0x135: {  	p0 =	sne.s32 s17, $0x0;
	s0 =	rddreg [dreg:$0x4]  }
0x136: {  	s0 =	sadd.s32 @!p0 $0x100000, s0  }
0x137: {  	[sflag:s0] =	ssyncadd.tile.s32 @!p0 $0x1;
	_ =	shalt  }
.Lfunc_end2:
_tile_overlayer_lowered:
.L_overlay_start_2:
0x138: {  	(tag) =	ssettag $0x2  }
0x139: {  	s0 =	rddreg [dreg:$0x0];
	s2 =	stileid.u32  }
0x13a: {  	s1 =	rddreg [dreg:$0x1];
	p0 =	sne.s32 s2, $0x0  }
0x13b: {  	s3 =	rddreg [dreg:$0x2];
	[bflag:$0x3] =	sbarrier.arrive $0xFFFF;
	s2 =	simm.s32 @!p0 $0x1C05  }
0x13c: {  	[timem:s3], [sflag:s2] =	dma.local @!p0 [hbm:s0], s1  }
0x13d: {  	s0 =	simm.s32 @!p0 $0x5  }
0x13e: {  	_ =	swait.ge @!p0 [sflag:s0], s1  }
0x13f: {  	s1 =	ssub.s32 @!p0 $0x0, s1;
	[sflag:s0] =	ssyncset.done @!p0 $0x0  }
0x140: {  	[sflag:s0] =	ssyncadd.s32 @!p0 s1  }
0x141: {  	[bflag:$0x3] =	sbarrier.arrive $0xFFFF  }
0x142: {  	_ =	shalt  }

</sc_bundles>
